<compile_context>
chip_gen: v7x
topology: tpu7x:2x2x1
jax: 0.10.2.dev20260603
libtpu: 0.0.44.dev20260713+nightly
codegen_flags: <defaults>
</compile_context>

<pallas_src>
import functools

import jax
import jax.numpy as jnp
from jax import lax
from jax.experimental import pallas as pl
from jax.experimental.pallas import tpu as pltpu
from jax.experimental.pallas import tpu_sc as plsc

H1 = W1 = 2544
H0 = W0 = 636
N = 2097152
HW1 = H1 * W1
HW0 = H0 * W0

_L = 16
_K = 1024
_G = _K // _L


def _quad1(table):
    q01 = jnp.roll(table, -1, axis=1)
    q10 = jnp.roll(table, -1, axis=0)
    q11 = jnp.roll(q10, -1, axis=1)
    return jnp.concatenate([table, q01, q10, q11], axis=2).reshape(HW1, 8)


def _pairs0(table):
    flat = table.reshape(HW0, 3)
    ext = jnp.concatenate([flat, flat[:1]], axis=0)
    return jnp.concatenate(
        [ext[:HW0], ext[1 : HW0 + 1], jnp.zeros((HW0, 2), jnp.float32)], axis=1
    )


def _buf_types():
    return [
        pltpu.VMEM((_K,), jnp.float32),
        pltpu.VMEM((_K,), jnp.float32),
        pltpu.VMEM((_K,), jnp.int32),
        pltpu.VMEM((_K,), jnp.int32),
        pltpu.VMEM((_K,), jnp.float32),
        pltpu.VMEM((_K,), jnp.float32),
        pltpu.VMEM((_K, 8), jnp.float32),
        pltpu.VMEM((_K, 8), jnp.float32),
        pltpu.VMEM((_K, 8), jnp.float32),
        pltpu.VMEM((_K, 3), jnp.float32),
    ]


@functools.cache
def _build():
    info = plsc.get_sparse_core_info()
    nc = info.num_cores
    nw = nc * info.num_subcores
    per_w = N // nw
    chunks = per_w // _K
    iters = chunks // 2

    mesh = plsc.VectorSubcoreMesh(core_axis_name="c", subcore_axis_name="s")

    @functools.partial(
        pl.kernel,
        mesh=mesh,
        out_type=jax.ShapeDtypeStruct((N, 3), jnp.float32),
        compiler_params=pltpu.CompilerParams(
            needs_layout_passes=False, use_tc_tiling_on_sc=False
        ),
        scratch_types=_buf_types() + _buf_types() + [pltpu.SemaphoreType.DMA] * 4,
    )
    def grid_lookup(xu_hbm, xv_hbm, q1_hbm, p0_hbm, out_hbm, *refs):
        bufs = (tuple(refs[0:10]), tuple(refs[10:20]))
        sem_x, sem_g1, sem_g2, sem_o = refs[20:24]
        wid = lax.axis_index("s") * nc + lax.axis_index("c")
        base0 = wid * per_w

        def x_issue(b, ch):
            base = base0 + ch * _K
            pltpu.async_copy(xu_hbm.at[pl.ds(base, _K)], b[0], sem_x)
            pltpu.async_copy(xv_hbm.at[pl.ds(base, _K)], b[1], sem_x)

        def x_wait(b):
            pltpu.make_async_copy(xu_hbm.at[pl.ds(0, _K)], b[0], sem_x).wait()
            pltpu.make_async_copy(xv_hbm.at[pl.ds(0, _K)], b[1], sem_x).wait()

        def g1_issue(b):
            pltpu.async_copy(q1_hbm.at[b[2]], b[6], sem_g1)

        def g1_wait(b):
            pltpu.make_async_copy(q1_hbm.at[b[2]], b[6], sem_g1).wait()

        def g2_issue(b):
            pltpu.async_copy(p0_hbm.at[b[2]], b[7], sem_g2)
            pltpu.async_copy(p0_hbm.at[b[3]], b[8], sem_g2)

        def g2_wait(b):
            pltpu.make_async_copy(p0_hbm.at[b[2]], b[7], sem_g2).wait()
            pltpu.make_async_copy(p0_hbm.at[b[3]], b[8], sem_g2).wait()

        def o_issue(b, ch):
            base = base0 + ch * _K
            pltpu.async_copy(b[9], out_hbm.at[pl.ds(base, _K)], sem_o)

        def o_wait(b):
            pltpu.make_async_copy(b[9], out_hbm.at[pl.ds(0, _K)], sem_o).wait()

        def phase1(b):
            def _g1b(g, carry):
                sl = pl.ds(g * _L, _L)
                u = jnp.clip(b[0][sl], 0.0, 1.0) * float(W1 - 1)
                v = jnp.clip(b[1][sl], 0.0, 1.0) * float(H1 - 1)
                u0 = u.astype(jnp.int32)
                v0 = v.astype(jnp.int32)
                b[4][sl] = u - u0.astype(jnp.float32)
                b[5][sl] = v - v0.astype(jnp.float32)
                b[2][sl] = v0 * W1 + u0
                return carry

            lax.fori_loop(0, _G, _g1b, 0)

        def phase2(b):
            def _g2b(g, carry):
                sl = pl.ds(g * _L, _L)
                pid = lax.iota(jnp.int32, _L) + g * _L
                fu = b[4][sl]
                fv = b[5][sl]
                key = []
                for c in range(2):
                    t00 = plsc.load_gather(b[6], [pid, jnp.full((_L,), c, jnp.int32)])
                    t01 = plsc.load_gather(b[6], [pid, jnp.full((_L,), 2 + c, jnp.int32)])
                    t10 = plsc.load_gather(b[6], [pid, jnp.full((_L,), 4 + c, jnp.int32)])
                    t11 = plsc.load_gather(b[6], [pid, jnp.full((_L,), 6 + c, jnp.int32)])
                    top = t00 + fu * (t01 - t00)
                    bot = t10 + fu * (t11 - t10)
                    key.append(top + fv * (bot - top))
                u = jnp.clip(key[0], 0.0, 1.0) * float(W0 - 1)
                v = jnp.clip(key[1], 0.0, 1.0) * float(H0 - 1)
                u0 = u.astype(jnp.int32)
                v0 = v.astype(jnp.int32)
                b[4][sl] = u - u0.astype(jnp.float32)
                b[5][sl] = v - v0.astype(jnp.float32)
                v1 = jnp.minimum(v0 + 1, H0 - 1)
                b[2][sl] = v0 * W0 + u0
                b[3][sl] = v1 * W0 + u0
                return carry

            lax.fori_loop(0, _G, _g2b, 0)

        def phase3(b):
            def _g3b(g, carry):
                sl = pl.ds(g * _L, _L)
                pid = lax.iota(jnp.int32, _L) + g * _L
                fu = b[4][sl]
                fv = b[5][sl]
                for c in range(3):
                    t00 = plsc.load_gather(b[7], [pid, jnp.full((_L,), c, jnp.int32)])
                    t01 = plsc.load_gather(b[7], [pid, jnp.full((_L,), 3 + c, jnp.int32)])
                    t10 = plsc.load_gather(b[8], [pid, jnp.full((_L,), c, jnp.int32)])
                    t11 = plsc.load_gather(b[8], [pid, jnp.full((_L,), 3 + c, jnp.int32)])
                    top = t00 + fu * (t01 - t00)
                    bot = t10 + fu * (t11 - t10)
                    res = top + fv * (bot - top)
                    plsc.store_scatter(b[9], [pid, jnp.full((_L,), c, jnp.int32)], res)
                return carry

            lax.fori_loop(0, _G, _g3b, 0)

        A, B = bufs

        x_issue(A, 0)
        x_wait(A)
        phase1(A)
        g1_issue(A)
        x_issue(B, 1)

        def body(i, carry):
            ch0 = 2 * i
            g1_wait(A)
            phase2(A)
            g2_issue(A)
            x_wait(B)
            phase1(B)
            g1_issue(B)
            x_issue(A, jnp.minimum(ch0 + 2, chunks - 1))
            g2_wait(A)

            @pl.when(i > 0)
            def _():
                o_wait(A)

            phase3(A)
            o_issue(A, ch0)
            g1_wait(B)
            phase2(B)
            g2_issue(B)
            x_wait(A)
            phase1(A)
            g1_issue(A)
            x_issue(B, jnp.minimum(ch0 + 3, chunks - 1))
            g2_wait(B)

            @pl.when(i > 0)
            def _():
                o_wait(B)

            phase3(B)
            o_issue(B, ch0 + 1)
            return carry

        lax.fori_loop(0, iters, body, 0)

        g1_wait(A)
        x_wait(B)
        o_wait(A)
        o_wait(B)

    return grid_lookup


def kernel(x, grid1_table, grid0_table):
    xu = x[:, 0]
    xv = x[:, 1]
    return _build()(xu, xv, _quad1(grid1_table), _pairs0(grid0_table))

# --- scband reference (transcript-rebuilt; emitter-appended) ---
"""Pipeline reference for scband-network-p2-c2-41-21234318312193 (READ-ONLY COPY).

The authoritative reference and input builder live on the scoring server;
editing this copy changes nothing except your own understanding.
"""

import jax, jax.numpy as jnp
import numpy as np

# Derived from init: Q=7, qFactor=7/8, resolution = int(round(4096*sqrt(3/(4*(qFactor*32+3)))/4)*4) = 636
RES0 = 636
RES1 = 4 * RES0  # 2544
N = 2097152


def bilinear2d(uv, table):
    # uv: [N, 2] coordinates in [0, 1]; table: [H, W, C]
    H, W, C = table.shape
    u = jnp.clip(uv[:, 0], 0.0, 1.0) * (W - 1)
    v = jnp.clip(uv[:, 1], 0.0, 1.0) * (H - 1)
    u0f = jnp.floor(u)
    v0f = jnp.floor(v)
    fu = (u - u0f)[:, None]
    fv = (v - v0f)[:, None]
    u0 = u0f.astype(jnp.int32)
    v0 = v0f.astype(jnp.int32)
    u1 = jnp.minimum(u0 + 1, W - 1)
    v1 = jnp.minimum(v0 + 1, H - 1)
    t00 = table[v0, u0]
    t01 = table[v0, u1]
    t10 = table[v1, u0]
    t11 = table[v1, u1]
    top = t00 * (1.0 - fu) + t01 * fu
    bot = t10 * (1.0 - fu) + t11 * fu
    return top * (1.0 - fv) + bot * fv


def setup_inputs(seed: int = 0) -> dict:
    key = jax.random.key(seed)
    k1, k2, k3 = jax.random.split(key, 3)
    x = jax.random.uniform(k1, (N, 2), dtype=jnp.float32)
    # grid1: SpatialGrid2D(uDim=2544, vDim=2544, latent=2), initMode='U' -> values in [0,1]
    grid1_table = jax.random.uniform(k2, (RES1, RES1, 2), dtype=jnp.float32)
    # grid0: SpatialGrid2D(uDim=636, vDim=636, latent=3), initMode='R'
    grid0_table = jax.random.uniform(k3, (RES0, RES0, 3), dtype=jnp.float32)
    return {"x": x, "grid1_table": grid1_table, "grid0_table": grid0_table}


def reference(x, grid1_table, grid0_table):
    # forward: self.grid0(self.grid1(x))
    key = bilinear2d(x, grid1_table)  # [N, 2] latent coords
    out = bilinear2d(key, grid0_table)  # [N, 3] color
    return out

if __name__ == "__main__":
    import jax
    _d = setup_inputs()
    print(jax.jit(kernel)(*tuple(_d.values())))

</pallas_src>

<mosaic_0001>
#map = affine_map<(d0, d1) -> (0)>
#map1 = affine_map<(d0, d1) -> (0, 0)>
module attributes {stable_mosaic.version = 14 : i64} {
  func.func @grid_lookup(%arg0: i32, %arg1: i32, %arg2: memref<2097152xf32, #tpu.memory_space<hbm>>, %arg3: memref<2097152xf32, #tpu.memory_space<hbm>>, %arg4: memref<6471936x8xf32, #tpu.memory_space<hbm>>, %arg5: memref<404496x8xf32, #tpu.memory_space<hbm>>, %arg6: memref<2097152x3xf32, #tpu.memory_space<hbm>>, %arg7: memref<1024xf32, #tpu.memory_space<vmem>>, %arg8: memref<1024xf32, #tpu.memory_space<vmem>>, %arg9: memref<1024xi32, #tpu.memory_space<vmem>>, %arg10: memref<1024xi32, #tpu.memory_space<vmem>>, %arg11: memref<1024xf32, #tpu.memory_space<vmem>>, %arg12: memref<1024xf32, #tpu.memory_space<vmem>>, %arg13: memref<1024x8xf32, #tpu.memory_space<vmem>>, %arg14: memref<1024x8xf32, #tpu.memory_space<vmem>>, %arg15: memref<1024x8xf32, #tpu.memory_space<vmem>>, %arg16: memref<1024x3xf32, #tpu.memory_space<vmem>>, %arg17: memref<1024xf32, #tpu.memory_space<vmem>>, %arg18: memref<1024xf32, #tpu.memory_space<vmem>>, %arg19: memref<1024xi32, #tpu.memory_space<vmem>>, %arg20: memref<1024xi32, #tpu.memory_space<vmem>>, %arg21: memref<1024xf32, #tpu.memory_space<vmem>>, %arg22: memref<1024xf32, #tpu.memory_space<vmem>>, %arg23: memref<1024x8xf32, #tpu.memory_space<vmem>>, %arg24: memref<1024x8xf32, #tpu.memory_space<vmem>>, %arg25: memref<1024x8xf32, #tpu.memory_space<vmem>>, %arg26: memref<1024x3xf32, #tpu.memory_space<vmem>>, %arg27: memref<!tpu.dma_semaphore, #tpu.memory_space<semaphore_mem>>, %arg28: memref<!tpu.dma_semaphore, #tpu.memory_space<semaphore_mem>>, %arg29: memref<!tpu.dma_semaphore, #tpu.memory_space<semaphore_mem>>, %arg30: memref<!tpu.dma_semaphore, #tpu.memory_space<semaphore_mem>>) attributes {dimension_semantics = [#tpu.dimension_semantics<core_parallel>, #tpu.dimension_semantics<subcore_parallel>], iteration_bounds = array<i64: 2, 16>, scalar_prefetch = 0 : i64, scratch_operands = 24 : i64, tpu.core_type = #tpu.core_type<sc_vector_subcore>, window_params = [{transform_indices = #map}, {transform_indices = #map}, {transform_indices = #map1}, {transform_indices = #map1}, {transform_indices = #map1}]} {
    %mul3A = arith.constant 2 : i32
    %mul3A_0 = arith.muli %arg1, %mul3A : i32
    %add3A = arith.addi %mul3A_0, %arg0 : i32
    %mul3A_1 = arith.constant 65536 : i32
    %mul3A_2 = arith.muli %add3A, %mul3A_1 : i32
    %add3A_3 = arith.constant 0 : i32
    %add3A_4 = arith.addi %mul3A_2, %add3A_3 : i32
    %dma_start3A = tpu.memref_slice %arg2[%add3A_4] : memref<2097152xf32, #tpu.memory_space<hbm>> -> memref<1024xf32, #tpu.memory_space<hbm>>
    %dma_start3A_5 = tpu.memref_slice %arg2[%add3A_4] : memref<2097152xf32, #tpu.memory_space<hbm>> -> memref<1024xf32, #tpu.memory_space<hbm>>
    tpu.enqueue_dma source(%dma_start3A_5 : memref<1024xf32, #tpu.memory_space<hbm>>) target(%arg7 : memref<1024xf32, #tpu.memory_space<vmem>>) target_semaphore(%arg27 : memref<!tpu.dma_semaphore, #tpu.memory_space<semaphore_mem>>)
    %dma_start3A_6 = tpu.memref_slice %arg3[%add3A_4] : memref<2097152xf32, #tpu.memory_space<hbm>> -> memref<1024xf32, #tpu.memory_space<hbm>>
    %dma_start3A_7 = tpu.memref_slice %arg3[%add3A_4] : memref<2097152xf32, #tpu.memory_space<hbm>> -> memref<1024xf32, #tpu.memory_space<hbm>>
    tpu.enqueue_dma source(%dma_start3A_7 : memref<1024xf32, #tpu.memory_space<hbm>>) target(%arg8 : memref<1024xf32, #tpu.memory_space<vmem>>) target_semaphore(%arg27 : memref<!tpu.dma_semaphore, #tpu.memory_space<semaphore_mem>>)
    %dma_wait3A = arith.constant 0 : i32
    %dma_wait3A_8 = tpu.memref_slice %arg2[%dma_wait3A] : memref<2097152xf32, #tpu.memory_space<hbm>> -> memref<1024xf32, #tpu.memory_space<hbm>>
    %dma_wait3A_9 = arith.constant 0 : i32
    %dma_wait3A_10 = tpu.memref_slice %arg2[%dma_wait3A_9] : memref<2097152xf32, #tpu.memory_space<hbm>> -> memref<1024xf32, #tpu.memory_space<hbm>>
    tpu.wait_dma2 semaphore(%arg27 : memref<!tpu.dma_semaphore, #tpu.memory_space<semaphore_mem>>) src(%dma_wait3A_10 : memref<1024xf32, #tpu.memory_space<hbm>>) dst(%arg7 : memref<1024xf32, #tpu.memory_space<vmem>>)
    %dma_wait3A_11 = arith.constant 0 : i32
    %dma_wait3A_12 = tpu.memref_slice %arg3[%dma_wait3A_11] : memref<2097152xf32, #tpu.memory_space<hbm>> -> memref<1024xf32, #tpu.memory_space<hbm>>
    %dma_wait3A_13 = arith.constant 0 : i32
    %dma_wait3A_14 = tpu.memref_slice %arg3[%dma_wait3A_13] : memref<2097152xf32, #tpu.memory_space<hbm>> -> memref<1024xf32, #tpu.memory_space<hbm>>
    tpu.wait_dma2 semaphore(%arg27 : memref<!tpu.dma_semaphore, #tpu.memory_space<semaphore_mem>>) src(%dma_wait3A_14 : memref<1024xf32, #tpu.memory_space<hbm>>) dst(%arg8 : memref<1024xf32, #tpu.memory_space<vmem>>)
    %scan3A = arith.constant 0 : i32
    %scan3A_15 = arith.constant 0 : i32
    %scan3A_16 = arith.constant 64 : i32
    %scan3A_17 = arith.addi %scan3A_15, %scan3A_16 : i32
    %scan3A_18 = arith.constant 1 : i32
    scf.for %scan3A_58 = %scan3A_15 to %scan3A_17 step %scan3A_18  : i32 {
      %mul3A_59 = arith.constant 16 : i32
      %mul3A_60 = arith.muli %scan3A_58, %mul3A_59 : i32
      %get3A = arith.index_cast %mul3A_60 : i32 to index
      %get3A_61 = tpu.vector_load %arg7[%get3A] {strides = array<i32>} : memref<1024xf32, #tpu.memory_space<vmem>>, vector<16xf32>,
      %jit3A = arith.constant 0.000000e+00 : f32
      %jit3A_62 = arith.constant 1.000000e+00 : f32
      %max3A = vector.broadcast %jit3A : f32 to vector<16xf32>
      %max3A_63 = arith.maximumf %max3A, %get3A_61 : vector<16xf32>
      %min3A = vector.broadcast %jit3A_62 : f32 to vector<16xf32>
      %min3A_64 = arith.minimumf %min3A, %max3A_63 : vector<16xf32>
      %mul3A_65 = arith.constant 2.543000e+03 : f32
      %mul3A_66 = vector.broadcast %mul3A_65 : f32 to vector<16xf32>
      %mul3A_67 = arith.mulf %min3A_64, %mul3A_66 : vector<16xf32>
      %get3A_68 = arith.index_cast %mul3A_60 : i32 to index
      %get3A_69 = tpu.vector_load %arg8[%get3A_68] {strides = array<i32>} : memref<1024xf32, #tpu.memory_space<vmem>>, vector<16xf32>,
      %jit3A_70 = arith.constant 0.000000e+00 : f32
      %jit3A_71 = arith.constant 1.000000e+00 : f32
      %max3A_72 = vector.broadcast %jit3A_70 : f32 to vector<16xf32>
      %max3A_73 = arith.maximumf %max3A_72, %get3A_69 : vector<16xf32>
      %min3A_74 = vector.broadcast %jit3A_71 : f32 to vector<16xf32>
      %min3A_75 = arith.minimumf %min3A_74, %max3A_73 : vector<16xf32>
      %mul3A_76 = arith.constant 2.543000e+03 : f32
      %mul3A_77 = vector.broadcast %mul3A_76 : f32 to vector<16xf32>
      %mul3A_78 = arith.mulf %min3A_75, %mul3A_77 : vector<16xf32>
      %convert_element_type3A = arith.fptosi %mul3A_67 : vector<16xf32> to vector<16xi32>
      %convert_element_type3A_79 = arith.fptosi %mul3A_78 : vector<16xf32> to vector<16xi32>
      %convert_element_type3A_80 = arith.sitofp %convert_element_type3A : vector<16xi32> to vector<16xf32>
      %sub3A = arith.subf %mul3A_67, %convert_element_type3A_80 : vector<16xf32>
      %swap3A = arith.index_cast %mul3A_60 : i32 to index
      %swap3A_81 = tpu.vector_load %arg11[%swap3A] {strides = array<i32>} : memref<1024xf32, #tpu.memory_space<vmem>>, vector<16xf32>,
      tpu.vector_store %arg11[%swap3A], %sub3A {strides = array<i32>} : memref<1024xf32, #tpu.memory_space<vmem>>, vector<16xf32>,
      %convert_element_type3A_82 = arith.sitofp %convert_element_type3A_79 : vector<16xi32> to vector<16xf32>
      %sub3A_83 = arith.subf %mul3A_78, %convert_element_type3A_82 : vector<16xf32>
      %swap3A_84 = arith.index_cast %mul3A_60 : i32 to index
      %swap3A_85 = tpu.vector_load %arg12[%swap3A_84] {strides = array<i32>} : memref<1024xf32, #tpu.memory_space<vmem>>, vector<16xf32>,
      tpu.vector_store %arg12[%swap3A_84], %sub3A_83 {strides = array<i32>} : memref<1024xf32, #tpu.memory_space<vmem>>, vector<16xf32>,
      %mul3A_86 = arith.constant 2544 : i32
      %mul3A_87 = vector.broadcast %mul3A_86 : i32 to vector<16xi32>
      %mul3A_88 = arith.muli %convert_element_type3A_79, %mul3A_87 : vector<16xi32>
      %add3A_89 = arith.addi %mul3A_88, %convert_element_type3A : vector<16xi32>
      %swap3A_90 = arith.index_cast %mul3A_60 : i32 to index
      %swap3A_91 = tpu.vector_load %arg9[%swap3A_90] {strides = array<i32>} : memref<1024xi32, #tpu.memory_space<vmem>>, vector<16xi32>,
      tpu.vector_store %arg9[%swap3A_90], %add3A_89 {strides = array<i32>} : memref<1024xi32, #tpu.memory_space<vmem>>, vector<16xi32>,
    }
    %scan3A_19 = arith.constant 64 : i32
    %dma_start3A_20 = arith.constant 0 : i32
    %dma_start3A_21 = arith.constant 0 : i32
    %dma_start3A_22 = tpu.memref_slice %arg4[%dma_start3A_20, %dma_start3A_21] : memref<6471936x8xf32, #tpu.memory_space<hbm>> -> memref<6471936x8xf32, #tpu.memory_space<hbm>>
    tpu.enqueue_indirect_dma source(%dma_start3A_22 : memref<6471936x8xf32, #tpu.memory_space<hbm>>) target(%arg13 : memref<1024x8xf32, #tpu.memory_space<vmem>>) offsets(%arg9 : memref<1024xi32, #tpu.memory_space<vmem>>) semaphore(%arg28 : memref<!tpu.dma_semaphore, #tpu.memory_space<semaphore_mem>>)
    %add3A_23 = arith.constant 1024 : i32
    %add3A_24 = arith.addi %mul3A_2, %add3A_23 : i32
    %dma_start3A_25 = tpu.memref_slice %arg2[%add3A_24] : memref<2097152xf32, #tpu.memory_space<hbm>> -> memref<1024xf32, #tpu.memory_space<hbm>>
    %dma_start3A_26 = tpu.memref_slice %arg2[%add3A_24] : memref<2097152xf32, #tpu.memory_space<hbm>> -> memref<1024xf32, #tpu.memory_space<hbm>>
    tpu.enqueue_dma source(%dma_start3A_26 : memref<1024xf32, #tpu.memory_space<hbm>>) target(%arg17 : memref<1024xf32, #tpu.memory_space<vmem>>) target_semaphore(%arg27 : memref<!tpu.dma_semaphore, #tpu.memory_space<semaphore_mem>>)
    %dma_start3A_27 = tpu.memref_slice %arg3[%add3A_24] : memref<2097152xf32, #tpu.memory_space<hbm>> -> memref<1024xf32, #tpu.memory_space<hbm>>
    %dma_start3A_28 = tpu.memref_slice %arg3[%add3A_24] : memref<2097152xf32, #tpu.memory_space<hbm>> -> memref<1024xf32, #tpu.memory_space<hbm>>
    tpu.enqueue_dma source(%dma_start3A_28 : memref<1024xf32, #tpu.memory_space<hbm>>) target(%arg18 : memref<1024xf32, #tpu.memory_space<vmem>>) target_semaphore(%arg27 : memref<!tpu.dma_semaphore, #tpu.memory_space<semaphore_mem>>)
    %scan3A_29 = arith.constant 0 : i32
    %scan3A_30 = arith.constant 0 : i32
    %scan3A_31 = arith.constant 32 : i32
    %scan3A_32 = arith.addi %scan3A_30, %scan3A_31 : i32
    %scan3A_33 = arith.constant 1 : i32
    scf.for %scan3A_58 = %scan3A_30 to %scan3A_32 step %scan3A_33  : i32 {
      %mul3A_59 = arith.constant 2 : i32
      %mul3A_60 = arith.muli %mul3A_59, %scan3A_58 : i32
      %dma_wait3A_61 = arith.constant 0 : i32
      %dma_wait3A_62 = arith.constant 0 : i32
      %dma_wait3A_63 = tpu.memref_slice %arg4[%dma_wait3A_61, %dma_wait3A_62] : memref<6471936x8xf32, #tpu.memory_space<hbm>> -> memref<6471936x8xf32, #tpu.memory_space<hbm>>
      tpu.wait_indirect_dma semaphore(%arg28 : memref<!tpu.dma_semaphore, #tpu.memory_space<semaphore_mem>>) src(%dma_wait3A_63 : memref<6471936x8xf32, #tpu.memory_space<hbm>>) dst(%arg13 : memref<1024x8xf32, #tpu.memory_space<vmem>>)
      %scan3A_64 = arith.constant 0 : i32
      %scan3A_65 = arith.constant 0 : i32
      %scan3A_66 = arith.constant 64 : i32
      %scan3A_67 = arith.addi %scan3A_65, %scan3A_66 : i32
      %scan3A_68 = arith.constant 1 : i32
      scf.for %scan3A_193 = %scan3A_65 to %scan3A_67 step %scan3A_68  : i32 {
        %mul3A_194 = arith.constant 16 : i32
        %mul3A_195 = arith.muli %scan3A_193, %mul3A_194 : i32
        %iota3A = tpu.iota {dimensions = array<i32: 0>} : vector<16xi32>
        %mul3A_196 = arith.constant 16 : i32
        %mul3A_197 = arith.muli %scan3A_193, %mul3A_196 : i32
        %add3A_198 = vector.broadcast %mul3A_197 : i32 to vector<16xi32>
        %add3A_199 = arith.addi %iota3A, %add3A_198 : vector<16xi32>
        %get3A = arith.index_cast %mul3A_195 : i32 to index
        %get3A_200 = tpu.vector_load %arg11[%get3A] {strides = array<i32>} : memref<1024xf32, #tpu.memory_space<vmem>>, vector<16xf32>,
        %get3A_201 = arith.index_cast %mul3A_195 : i32 to index
        %get3A_202 = tpu.vector_load %arg12[%get3A_201] {strides = array<i32>} : memref<1024xf32, #tpu.memory_space<vmem>>, vector<16xf32>,
        %broadcast_in_dim3A = arith.constant 0 : i32
        %broadcast_in_dim3A_203 = vector.broadcast %broadcast_in_dim3A : i32 to vector<16xi32>
        %gather3A = tpu.vector_load_idx %arg13[%add3A_199, %broadcast_in_dim3A_203] : memref<1024x8xf32, #tpu.memory_space<vmem>>[vector<16xi32>, vector<16xi32>], vector<16xf32>,
        %broadcast_in_dim3A_204 = arith.constant 2 : i32
        %broadcast_in_dim3A_205 = vector.broadcast %broadcast_in_dim3A_204 : i32 to vector<16xi32>
        %gather3A_206 = tpu.vector_load_idx %arg13[%add3A_199, %broadcast_in_dim3A_205] : memref<1024x8xf32, #tpu.memory_space<vmem>>[vector<16xi32>, vector<16xi32>], vector<16xf32>,
        %broadcast_in_dim3A_207 = arith.constant 4 : i32
        %broadcast_in_dim3A_208 = vector.broadcast %broadcast_in_dim3A_207 : i32 to vector<16xi32>
        %gather3A_209 = tpu.vector_load_idx %arg13[%add3A_199, %broadcast_in_dim3A_208] : memref<1024x8xf32, #tpu.memory_space<vmem>>[vector<16xi32>, vector<16xi32>], vector<16xf32>,
        %broadcast_in_dim3A_210 = arith.constant 6 : i32
        %broadcast_in_dim3A_211 = vector.broadcast %broadcast_in_dim3A_210 : i32 to vector<16xi32>
        %gather3A_212 = tpu.vector_load_idx %arg13[%add3A_199, %broadcast_in_dim3A_211] : memref<1024x8xf32, #tpu.memory_space<vmem>>[vector<16xi32>, vector<16xi32>], vector<16xf32>,
        %sub3A = arith.subf %gather3A_206, %gather3A : vector<16xf32>
        %mul3A_213 = arith.mulf %get3A_200, %sub3A : vector<16xf32>
        %add3A_214 = arith.addf %gather3A, %mul3A_213 : vector<16xf32>
        %sub3A_215 = arith.subf %gather3A_212, %gather3A_209 : vector<16xf32>
        %mul3A_216 = arith.mulf %get3A_200, %sub3A_215 : vector<16xf32>
        %add3A_217 = arith.addf %gather3A_209, %mul3A_216 : vector<16xf32>
        %sub3A_218 = arith.subf %add3A_217, %add3A_214 : vector<16xf32>
        %mul3A_219 = arith.mulf %get3A_202, %sub3A_218 : vector<16xf32>
        %add3A_220 = arith.addf %add3A_214, %mul3A_219 : vector<16xf32>
        %broadcast_in_dim3A_221 = arith.constant 1 : i32
        %broadcast_in_dim3A_222 = vector.broadcast %broadcast_in_dim3A_221 : i32 to vector<16xi32>
        %gather3A_223 = tpu.vector_load_idx %arg13[%add3A_199, %broadcast_in_dim3A_222] : memref<1024x8xf32, #tpu.memory_space<vmem>>[vector<16xi32>, vector<16xi32>], vector<16xf32>,
        %broadcast_in_dim3A_224 = arith.constant 3 : i32
        %broadcast_in_dim3A_225 = vector.broadcast %broadcast_in_dim3A_224 : i32 to vector<16xi32>
        %gather3A_226 = tpu.vector_load_idx %arg13[%add3A_199, %broadcast_in_dim3A_225] : memref<1024x8xf32, #tpu.memory_space<vmem>>[vector<16xi32>, vector<16xi32>], vector<16xf32>,
        %broadcast_in_dim3A_227 = arith.constant 5 : i32
        %broadcast_in_dim3A_228 = vector.broadcast %broadcast_in_dim3A_227 : i32 to vector<16xi32>
        %gather3A_229 = tpu.vector_load_idx %arg13[%add3A_199, %broadcast_in_dim3A_228] : memref<1024x8xf32, #tpu.memory_space<vmem>>[vector<16xi32>, vector<16xi32>], vector<16xf32>,
        %broadcast_in_dim3A_230 = arith.constant 7 : i32
        %broadcast_in_dim3A_231 = vector.broadcast %broadcast_in_dim3A_230 : i32 to vector<16xi32>
        %gather3A_232 = tpu.vector_load_idx %arg13[%add3A_199, %broadcast_in_dim3A_231] : memref<1024x8xf32, #tpu.memory_space<vmem>>[vector<16xi32>, vector<16xi32>], vector<16xf32>,
        %sub3A_233 = arith.subf %gather3A_226, %gather3A_223 : vector<16xf32>
        %mul3A_234 = arith.mulf %get3A_200, %sub3A_233 : vector<16xf32>
        %add3A_235 = arith.addf %gather3A_223, %mul3A_234 : vector<16xf32>
        %sub3A_236 = arith.subf %gather3A_232, %gather3A_229 : vector<16xf32>
        %mul3A_237 = arith.mulf %get3A_200, %sub3A_236 : vector<16xf32>
        %add3A_238 = arith.addf %gather3A_229, %mul3A_237 : vector<16xf32>
        %sub3A_239 = arith.subf %add3A_238, %add3A_235 : vector<16xf32>
        %mul3A_240 = arith.mulf %get3A_202, %sub3A_239 : vector<16xf32>
        %add3A_241 = arith.addf %add3A_235, %mul3A_240 : vector<16xf32>
        %jit3A = arith.constant 0.000000e+00 : f32
        %jit3A_242 = arith.constant 1.000000e+00 : f32
        %max3A = vector.broadcast %jit3A : f32 to vector<16xf32>
        %max3A_243 = arith.maximumf %max3A, %add3A_220 : vector<16xf32>
        %min3A_244 = vector.broadcast %jit3A_242 : f32 to vector<16xf32>
        %min3A_245 = arith.minimumf %min3A_244, %max3A_243 : vector<16xf32>
        %mul3A_246 = arith.constant 6.350000e+02 : f32
        %mul3A_247 = vector.broadcast %mul3A_246 : f32 to vector<16xf32>
        %mul3A_248 = arith.mulf %min3A_245, %mul3A_247 : vector<16xf32>
        %jit3A_249 = arith.constant 0.000000e+00 : f32
        %jit3A_250 = arith.constant 1.000000e+00 : f32
        %max3A_251 = vector.broadcast %jit3A_249 : f32 to vector<16xf32>
        %max3A_252 = arith.maximumf %max3A_251, %add3A_241 : vector<16xf32>
        %min3A_253 = vector.broadcast %jit3A_250 : f32 to vector<16xf32>
        %min3A_254 = arith.minimumf %min3A_253, %max3A_252 : vector<16xf32>
        %mul3A_255 = arith.constant 6.350000e+02 : f32
        %mul3A_256 = vector.broadcast %mul3A_255 : f32 to vector<16xf32>
        %mul3A_257 = arith.mulf %min3A_254, %mul3A_256 : vector<16xf32>
        %convert_element_type3A_258 = arith.fptosi %mul3A_248 : vector<16xf32> to vector<16xi32>
        %convert_element_type3A_259 = arith.fptosi %mul3A_257 : vector<16xf32> to vector<16xi32>
        %convert_element_type3A_260 = arith.sitofp %convert_element_type3A_258 : vector<16xi32> to vector<16xf32>
        %sub3A_261 = arith.subf %mul3A_248, %convert_element_type3A_260 : vector<16xf32>
        %swap3A = arith.index_cast %mul3A_195 : i32 to index
        %swap3A_262 = tpu.vector_load %arg11[%swap3A] {strides = array<i32>} : memref<1024xf32, #tpu.memory_space<vmem>>, vector<16xf32>,
        tpu.vector_store %arg11[%swap3A], %sub3A_261 {strides = array<i32>} : memref<1024xf32, #tpu.memory_space<vmem>>, vector<16xf32>,
        %convert_element_type3A_263 = arith.sitofp %convert_element_type3A_259 : vector<16xi32> to vector<16xf32>
        %sub3A_264 = arith.subf %mul3A_257, %convert_element_type3A_263 : vector<16xf32>
        %swap3A_265 = arith.index_cast %mul3A_195 : i32 to index
        %swap3A_266 = tpu.vector_load %arg12[%swap3A_265] {strides = array<i32>} : memref<1024xf32, #tpu.memory_space<vmem>>, vector<16xf32>,
        tpu.vector_store %arg12[%swap3A_265], %sub3A_264 {strides = array<i32>} : memref<1024xf32, #tpu.memory_space<vmem>>, vector<16xf32>,
        %add3A_267 = arith.constant 1 : i32
        %add3A_268 = vector.broadcast %add3A_267 : i32 to vector<16xi32>
        %add3A_269 = arith.addi %convert_element_type3A_259, %add3A_268 : vector<16xi32>
        %min3A_270 = arith.constant 635 : i32
        %min3A_271 = vector.broadcast %min3A_270 : i32 to vector<16xi32>
        %min3A_272 = arith.minsi %add3A_269, %min3A_271 : vector<16xi32>
        %mul3A_273 = arith.constant 636 : i32
        %mul3A_274 = vector.broadcast %mul3A_273 : i32 to vector<16xi32>
        %mul3A_275 = arith.muli %convert_element_type3A_259, %mul3A_274 : vector<16xi32>
        %add3A_276 = arith.addi %mul3A_275, %convert_element_type3A_258 : vector<16xi32>
        %swap3A_277 = arith.index_cast %mul3A_195 : i32 to index
        %swap3A_278 = tpu.vector_load %arg9[%swap3A_277] {strides = array<i32>} : memref<1024xi32, #tpu.memory_space<vmem>>, vector<16xi32>,
        tpu.vector_store %arg9[%swap3A_277], %add3A_276 {strides = array<i32>} : memref<1024xi32, #tpu.memory_space<vmem>>, vector<16xi32>,
        %mul3A_279 = arith.constant 636 : i32
        %mul3A_280 = vector.broadcast %mul3A_279 : i32 to vector<16xi32>
        %mul3A_281 = arith.muli %min3A_272, %mul3A_280 : vector<16xi32>
        %add3A_282 = arith.addi %mul3A_281, %convert_element_type3A_258 : vector<16xi32>
        %swap3A_283 = arith.index_cast %mul3A_195 : i32 to index
        %swap3A_284 = tpu.vector_load %arg10[%swap3A_283] {strides = array<i32>} : memref<1024xi32, #tpu.memory_space<vmem>>, vector<16xi32>,
        tpu.vector_store %arg10[%swap3A_283], %add3A_282 {strides = array<i32>} : memref<1024xi32, #tpu.memory_space<vmem>>, vector<16xi32>,
      }
      %scan3A_69 = arith.constant 64 : i32
      %dma_start3A_70 = arith.constant 0 : i32
      %dma_start3A_71 = arith.constant 0 : i32
      %dma_start3A_72 = tpu.memref_slice %arg5[%dma_start3A_70, %dma_start3A_71] : memref<404496x8xf32, #tpu.memory_space<hbm>> -> memref<404496x8xf32, #tpu.memory_space<hbm>>
      tpu.enqueue_indirect_dma source(%dma_start3A_72 : memref<404496x8xf32, #tpu.memory_space<hbm>>) target(%arg14 : memref<1024x8xf32, #tpu.memory_space<vmem>>) offsets(%arg9 : memref<1024xi32, #tpu.memory_space<vmem>>) semaphore(%arg29 : memref<!tpu.dma_semaphore, #tpu.memory_space<semaphore_mem>>)
      %dma_start3A_73 = arith.constant 0 : i32
      %dma_start3A_74 = arith.constant 0 : i32
      %dma_start3A_75 = tpu.memref_slice %arg5[%dma_start3A_73, %dma_start3A_74] : memref<404496x8xf32, #tpu.memory_space<hbm>> -> memref<404496x8xf32, #tpu.memory_space<hbm>>
      tpu.enqueue_indirect_dma source(%dma_start3A_75 : memref<404496x8xf32, #tpu.memory_space<hbm>>) target(%arg15 : memref<1024x8xf32, #tpu.memory_space<vmem>>) offsets(%arg10 : memref<1024xi32, #tpu.memory_space<vmem>>) semaphore(%arg29 : memref<!tpu.dma_semaphore, #tpu.memory_space<semaphore_mem>>)
      %dma_wait3A_76 = arith.constant 0 : i32
      %dma_wait3A_77 = tpu.memref_slice %arg2[%dma_wait3A_76] : memref<2097152xf32, #tpu.memory_space<hbm>> -> memref<1024xf32, #tpu.memory_space<hbm>>
      %dma_wait3A_78 = arith.constant 0 : i32
      %dma_wait3A_79 = tpu.memref_slice %arg2[%dma_wait3A_78] : memref<2097152xf32, #tpu.memory_space<hbm>> -> memref<1024xf32, #tpu.memory_space<hbm>>
      tpu.wait_dma2 semaphore(%arg27 : memref<!tpu.dma_semaphore, #tpu.memory_space<semaphore_mem>>) src(%dma_wait3A_79 : memref<1024xf32, #tpu.memory_space<hbm>>) dst(%arg17 : memref<1024xf32, #tpu.memory_space<vmem>>)
      %dma_wait3A_80 = arith.constant 0 : i32
      %dma_wait3A_81 = tpu.memref_slice %arg3[%dma_wait3A_80] : memref<2097152xf32, #tpu.memory_space<hbm>> -> memref<1024xf32, #tpu.memory_space<hbm>>
      %dma_wait3A_82 = arith.constant 0 : i32
      %dma_wait3A_83 = tpu.memref_slice %arg3[%dma_wait3A_82] : memref<2097152xf32, #tpu.memory_space<hbm>> -> memref<1024xf32, #tpu.memory_space<hbm>>
      tpu.wait_dma2 semaphore(%arg27 : memref<!tpu.dma_semaphore, #tpu.memory_space<semaphore_mem>>) src(%dma_wait3A_83 : memref<1024xf32, #tpu.memory_space<hbm>>) dst(%arg18 : memref<1024xf32, #tpu.memory_space<vmem>>)
      %scan3A_84 = arith.constant 0 : i32
      %scan3A_85 = arith.constant 0 : i32
      %scan3A_86 = arith.constant 64 : i32
      %scan3A_87 = arith.addi %scan3A_85, %scan3A_86 : i32
      %scan3A_88 = arith.constant 1 : i32
      scf.for %scan3A_193 = %scan3A_85 to %scan3A_87 step %scan3A_88  : i32 {
        %mul3A_194 = arith.constant 16 : i32
        %mul3A_195 = arith.muli %scan3A_193, %mul3A_194 : i32
        %get3A = arith.index_cast %mul3A_195 : i32 to index
        %get3A_196 = tpu.vector_load %arg17[%get3A] {strides = array<i32>} : memref<1024xf32, #tpu.memory_space<vmem>>, vector<16xf32>,
        %jit3A = arith.constant 0.000000e+00 : f32
        %jit3A_197 = arith.constant 1.000000e+00 : f32
        %max3A = vector.broadcast %jit3A : f32 to vector<16xf32>
        %max3A_198 = arith.maximumf %max3A, %get3A_196 : vector<16xf32>
        %min3A_199 = vector.broadcast %jit3A_197 : f32 to vector<16xf32>
        %min3A_200 = arith.minimumf %min3A_199, %max3A_198 : vector<16xf32>
        %mul3A_201 = arith.constant 2.543000e+03 : f32
        %mul3A_202 = vector.broadcast %mul3A_201 : f32 to vector<16xf32>
        %mul3A_203 = arith.mulf %min3A_200, %mul3A_202 : vector<16xf32>
        %get3A_204 = arith.index_cast %mul3A_195 : i32 to index
        %get3A_205 = tpu.vector_load %arg18[%get3A_204] {strides = array<i32>} : memref<1024xf32, #tpu.memory_space<vmem>>, vector<16xf32>,
        %jit3A_206 = arith.constant 0.000000e+00 : f32
        %jit3A_207 = arith.constant 1.000000e+00 : f32
        %max3A_208 = vector.broadcast %jit3A_206 : f32 to vector<16xf32>
        %max3A_209 = arith.maximumf %max3A_208, %get3A_205 : vector<16xf32>
        %min3A_210 = vector.broadcast %jit3A_207 : f32 to vector<16xf32>
        %min3A_211 = arith.minimumf %min3A_210, %max3A_209 : vector<16xf32>
        %mul3A_212 = arith.constant 2.543000e+03 : f32
        %mul3A_213 = vector.broadcast %mul3A_212 : f32 to vector<16xf32>
        %mul3A_214 = arith.mulf %min3A_211, %mul3A_213 : vector<16xf32>
        %convert_element_type3A_215 = arith.fptosi %mul3A_203 : vector<16xf32> to vector<16xi32>
        %convert_element_type3A_216 = arith.fptosi %mul3A_214 : vector<16xf32> to vector<16xi32>
        %convert_element_type3A_217 = arith.sitofp %convert_element_type3A_215 : vector<16xi32> to vector<16xf32>
        %sub3A = arith.subf %mul3A_203, %convert_element_type3A_217 : vector<16xf32>
        %swap3A = arith.index_cast %mul3A_195 : i32 to index
        %swap3A_218 = tpu.vector_load %arg21[%swap3A] {strides = array<i32>} : memref<1024xf32, #tpu.memory_space<vmem>>, vector<16xf32>,
        tpu.vector_store %arg21[%swap3A], %sub3A {strides = array<i32>} : memref<1024xf32, #tpu.memory_space<vmem>>, vector<16xf32>,
        %convert_element_type3A_219 = arith.sitofp %convert_element_type3A_216 : vector<16xi32> to vector<16xf32>
        %sub3A_220 = arith.subf %mul3A_214, %convert_element_type3A_219 : vector<16xf32>
        %swap3A_221 = arith.index_cast %mul3A_195 : i32 to index
        %swap3A_222 = tpu.vector_load %arg22[%swap3A_221] {strides = array<i32>} : memref<1024xf32, #tpu.memory_space<vmem>>, vector<16xf32>,
        tpu.vector_store %arg22[%swap3A_221], %sub3A_220 {strides = array<i32>} : memref<1024xf32, #tpu.memory_space<vmem>>, vector<16xf32>,
        %mul3A_223 = arith.constant 2544 : i32
        %mul3A_224 = vector.broadcast %mul3A_223 : i32 to vector<16xi32>
        %mul3A_225 = arith.muli %convert_element_type3A_216, %mul3A_224 : vector<16xi32>
        %add3A_226 = arith.addi %mul3A_225, %convert_element_type3A_215 : vector<16xi32>
        %swap3A_227 = arith.index_cast %mul3A_195 : i32 to index
        %swap3A_228 = tpu.vector_load %arg19[%swap3A_227] {strides = array<i32>} : memref<1024xi32, #tpu.memory_space<vmem>>, vector<16xi32>,
        tpu.vector_store %arg19[%swap3A_227], %add3A_226 {strides = array<i32>} : memref<1024xi32, #tpu.memory_space<vmem>>, vector<16xi32>,
      }
      %scan3A_89 = arith.constant 64 : i32
      %dma_start3A_90 = arith.constant 0 : i32
      %dma_start3A_91 = arith.constant 0 : i32
      %dma_start3A_92 = tpu.memref_slice %arg4[%dma_start3A_90, %dma_start3A_91] : memref<6471936x8xf32, #tpu.memory_space<hbm>> -> memref<6471936x8xf32, #tpu.memory_space<hbm>>
      tpu.enqueue_indirect_dma source(%dma_start3A_92 : memref<6471936x8xf32, #tpu.memory_space<hbm>>) target(%arg23 : memref<1024x8xf32, #tpu.memory_space<vmem>>) offsets(%arg19 : memref<1024xi32, #tpu.memory_space<vmem>>) semaphore(%arg28 : memref<!tpu.dma_semaphore, #tpu.memory_space<semaphore_mem>>)
      %add3A_93 = arith.constant 2 : i32
      %add3A_94 = arith.addi %mul3A_60, %add3A_93 : i32
      %min3A = arith.constant 63 : i32
      %min3A_95 = arith.minsi %add3A_94, %min3A : i32
      %mul3A_96 = arith.constant 1024 : i32
      %mul3A_97 = arith.muli %min3A_95, %mul3A_96 : i32
      %add3A_98 = arith.addi %mul3A_2, %mul3A_97 : i32
      %dma_start3A_99 = tpu.memref_slice %arg2[%add3A_98] : memref<2097152xf32, #tpu.memory_space<hbm>> -> memref<1024xf32, #tpu.memory_space<hbm>>
      %dma_start3A_100 = tpu.memref_slice %arg2[%add3A_98] : memref<2097152xf32, #tpu.memory_space<hbm>> -> memref<1024xf32, #tpu.memory_space<hbm>>
      tpu.enqueue_dma source(%dma_start3A_100 : memref<1024xf32, #tpu.memory_space<hbm>>) target(%arg7 : memref<1024xf32, #tpu.memory_space<vmem>>) target_semaphore(%arg27 : memref<!tpu.dma_semaphore, #tpu.memory_space<semaphore_mem>>)
      %dma_start3A_101 = tpu.memref_slice %arg3[%add3A_98] : memref<2097152xf32, #tpu.memory_space<hbm>> -> memref<1024xf32, #tpu.memory_space<hbm>>
      %dma_start3A_102 = tpu.memref_slice %arg3[%add3A_98] : memref<2097152xf32, #tpu.memory_space<hbm>> -> memref<1024xf32, #tpu.memory_space<hbm>>
      tpu.enqueue_dma source(%dma_start3A_102 : memref<1024xf32, #tpu.memory_space<hbm>>) target(%arg8 : memref<1024xf32, #tpu.memory_space<vmem>>) target_semaphore(%arg27 : memref<!tpu.dma_semaphore, #tpu.memory_space<semaphore_mem>>)
      %dma_wait3A_103 = arith.constant 0 : i32
      %dma_wait3A_104 = arith.constant 0 : i32
      %dma_wait3A_105 = tpu.memref_slice %arg5[%dma_wait3A_103, %dma_wait3A_104] : memref<404496x8xf32, #tpu.memory_space<hbm>> -> memref<404496x8xf32, #tpu.memory_space<hbm>>
      tpu.wait_indirect_dma semaphore(%arg29 : memref<!tpu.dma_semaphore, #tpu.memory_space<semaphore_mem>>) src(%dma_wait3A_105 : memref<404496x8xf32, #tpu.memory_space<hbm>>) dst(%arg14 : memref<1024x8xf32, #tpu.memory_space<vmem>>)
      %dma_wait3A_106 = arith.constant 0 : i32
      %dma_wait3A_107 = arith.constant 0 : i32
      %dma_wait3A_108 = tpu.memref_slice %arg5[%dma_wait3A_106, %dma_wait3A_107] : memref<404496x8xf32, #tpu.memory_space<hbm>> -> memref<404496x8xf32, #tpu.memory_space<hbm>>
      tpu.wait_indirect_dma semaphore(%arg29 : memref<!tpu.dma_semaphore, #tpu.memory_space<semaphore_mem>>) src(%dma_wait3A_108 : memref<404496x8xf32, #tpu.memory_space<hbm>>) dst(%arg15 : memref<1024x8xf32, #tpu.memory_space<vmem>>)
      %gt3A = arith.constant 0 : i32
      %gt3A_109 = arith.cmpi sgt, %scan3A_58, %gt3A : i32
      %convert_element_type3A = arith.extui %gt3A_109 : i1 to i32
      %cond3A = arith.constant 0 : i32
      %cond3A_110 = arith.cmpi ne, %convert_element_type3A, %cond3A : i32
      scf.if %cond3A_110 {
        %dma_wait3A_193 = arith.constant 0 : i32
        %dma_wait3A_194 = arith.constant 0 : i32
        %dma_wait3A_195 = tpu.memref_slice %arg6[%dma_wait3A_193, %dma_wait3A_194] : memref<2097152x3xf32, #tpu.memory_space<hbm>> -> memref<1024x3xf32, #tpu.memory_space<hbm>>
        %dma_wait3A_196 = arith.constant 0 : i32
        %dma_wait3A_197 = arith.constant 0 : i32
        %dma_wait3A_198 = tpu.memref_slice %arg6[%dma_wait3A_196, %dma_wait3A_197] : memref<2097152x3xf32, #tpu.memory_space<hbm>> -> memref<1024x3xf32, #tpu.memory_space<hbm>>
        tpu.wait_dma2 semaphore(%arg30 : memref<!tpu.dma_semaphore, #tpu.memory_space<semaphore_mem>>) src(%arg16 : memref<1024x3xf32, #tpu.memory_space<vmem>>) dst(%dma_wait3A_198 : memref<1024x3xf32, #tpu.memory_space<hbm>>)
      } else {
      }
      %scan3A_111 = arith.constant 0 : i32
      %scan3A_112 = arith.constant 0 : i32
      %scan3A_113 = arith.constant 64 : i32
      %scan3A_114 = arith.addi %scan3A_112, %scan3A_113 : i32
      %scan3A_115 = arith.constant 1 : i32
      scf.for %scan3A_193 = %scan3A_112 to %scan3A_114 step %scan3A_115  : i32 {
        %mul3A_194 = arith.constant 16 : i32
        %mul3A_195 = arith.muli %scan3A_193, %mul3A_194 : i32
        %iota3A = tpu.iota {dimensions = array<i32: 0>} : vector<16xi32>
        %mul3A_196 = arith.constant 16 : i32
        %mul3A_197 = arith.muli %scan3A_193, %mul3A_196 : i32
        %add3A_198 = vector.broadcast %mul3A_197 : i32 to vector<16xi32>
        %add3A_199 = arith.addi %iota3A, %add3A_198 : vector<16xi32>
        %get3A = arith.index_cast %mul3A_195 : i32 to index
        %get3A_200 = tpu.vector_load %arg11[%get3A] {strides = array<i32>} : memref<1024xf32, #tpu.memory_space<vmem>>, vector<16xf32>,
        %get3A_201 = arith.index_cast %mul3A_195 : i32 to index
        %get3A_202 = tpu.vector_load %arg12[%get3A_201] {strides = array<i32>} : memref<1024xf32, #tpu.memory_space<vmem>>, vector<16xf32>,
        %broadcast_in_dim3A = arith.constant 0 : i32
        %broadcast_in_dim3A_203 = vector.broadcast %broadcast_in_dim3A : i32 to vector<16xi32>
        %gather3A = tpu.vector_load_idx %arg14[%add3A_199, %broadcast_in_dim3A_203] : memref<1024x8xf32, #tpu.memory_space<vmem>>[vector<16xi32>, vector<16xi32>], vector<16xf32>,
        %broadcast_in_dim3A_204 = arith.constant 3 : i32
        %broadcast_in_dim3A_205 = vector.broadcast %broadcast_in_dim3A_204 : i32 to vector<16xi32>
        %gather3A_206 = tpu.vector_load_idx %arg14[%add3A_199, %broadcast_in_dim3A_205] : memref<1024x8xf32, #tpu.memory_space<vmem>>[vector<16xi32>, vector<16xi32>], vector<16xf32>,
        %broadcast_in_dim3A_207 = arith.constant 0 : i32
        %broadcast_in_dim3A_208 = vector.broadcast %broadcast_in_dim3A_207 : i32 to vector<16xi32>
        %gather3A_209 = tpu.vector_load_idx %arg15[%add3A_199, %broadcast_in_dim3A_208] : memref<1024x8xf32, #tpu.memory_space<vmem>>[vector<16xi32>, vector<16xi32>], vector<16xf32>,
        %broadcast_in_dim3A_210 = arith.constant 3 : i32
        %broadcast_in_dim3A_211 = vector.broadcast %broadcast_in_dim3A_210 : i32 to vector<16xi32>
        %gather3A_212 = tpu.vector_load_idx %arg15[%add3A_199, %broadcast_in_dim3A_211] : memref<1024x8xf32, #tpu.memory_space<vmem>>[vector<16xi32>, vector<16xi32>], vector<16xf32>,
        %sub3A = arith.subf %gather3A_206, %gather3A : vector<16xf32>
        %mul3A_213 = arith.mulf %get3A_200, %sub3A : vector<16xf32>
        %add3A_214 = arith.addf %gather3A, %mul3A_213 : vector<16xf32>
        %sub3A_215 = arith.subf %gather3A_212, %gather3A_209 : vector<16xf32>
        %mul3A_216 = arith.mulf %get3A_200, %sub3A_215 : vector<16xf32>
        %add3A_217 = arith.addf %gather3A_209, %mul3A_216 : vector<16xf32>
        %sub3A_218 = arith.subf %add3A_217, %add3A_214 : vector<16xf32>
        %mul3A_219 = arith.mulf %get3A_202, %sub3A_218 : vector<16xf32>
        %add3A_220 = arith.addf %add3A_214, %mul3A_219 : vector<16xf32>
        %broadcast_in_dim3A_221 = arith.constant 0 : i32
        %broadcast_in_dim3A_222 = vector.broadcast %broadcast_in_dim3A_221 : i32 to vector<16xi32>
        tpu.vector_store_idx %arg16[%add3A_199, %broadcast_in_dim3A_222], %add3A_220 : memref<1024x3xf32, #tpu.memory_space<vmem>>[vector<16xi32>, vector<16xi32>], vector<16xf32>,
        %broadcast_in_dim3A_223 = arith.constant 1 : i32
        %broadcast_in_dim3A_224 = vector.broadcast %broadcast_in_dim3A_223 : i32 to vector<16xi32>
        %gather3A_225 = tpu.vector_load_idx %arg14[%add3A_199, %broadcast_in_dim3A_224] : memref<1024x8xf32, #tpu.memory_space<vmem>>[vector<16xi32>, vector<16xi32>], vector<16xf32>,
        %broadcast_in_dim3A_226 = arith.constant 4 : i32
        %broadcast_in_dim3A_227 = vector.broadcast %broadcast_in_dim3A_226 : i32 to vector<16xi32>
        %gather3A_228 = tpu.vector_load_idx %arg14[%add3A_199, %broadcast_in_dim3A_227] : memref<1024x8xf32, #tpu.memory_space<vmem>>[vector<16xi32>, vector<16xi32>], vector<16xf32>,
        %broadcast_in_dim3A_229 = arith.constant 1 : i32
        %broadcast_in_dim3A_230 = vector.broadcast %broadcast_in_dim3A_229 : i32 to vector<16xi32>
        %gather3A_231 = tpu.vector_load_idx %arg15[%add3A_199, %broadcast_in_dim3A_230] : memref<1024x8xf32, #tpu.memory_space<vmem>>[vector<16xi32>, vector<16xi32>], vector<16xf32>,
        %broadcast_in_dim3A_232 = arith.constant 4 : i32
        %broadcast_in_dim3A_233 = vector.broadcast %broadcast_in_dim3A_232 : i32 to vector<16xi32>
        %gather3A_234 = tpu.vector_load_idx %arg15[%add3A_199, %broadcast_in_dim3A_233] : memref<1024x8xf32, #tpu.memory_space<vmem>>[vector<16xi32>, vector<16xi32>], vector<16xf32>,
        %sub3A_235 = arith.subf %gather3A_228, %gather3A_225 : vector<16xf32>
        %mul3A_236 = arith.mulf %get3A_200, %sub3A_235 : vector<16xf32>
        %add3A_237 = arith.addf %gather3A_225, %mul3A_236 : vector<16xf32>
        %sub3A_238 = arith.subf %gather3A_234, %gather3A_231 : vector<16xf32>
        %mul3A_239 = arith.mulf %get3A_200, %sub3A_238 : vector<16xf32>
        %add3A_240 = arith.addf %gather3A_231, %mul3A_239 : vector<16xf32>
        %sub3A_241 = arith.subf %add3A_240, %add3A_237 : vector<16xf32>
        %mul3A_242 = arith.mulf %get3A_202, %sub3A_241 : vector<16xf32>
        %add3A_243 = arith.addf %add3A_237, %mul3A_242 : vector<16xf32>
        %broadcast_in_dim3A_244 = arith.constant 1 : i32
        %broadcast_in_dim3A_245 = vector.broadcast %broadcast_in_dim3A_244 : i32 to vector<16xi32>
        tpu.vector_store_idx %arg16[%add3A_199, %broadcast_in_dim3A_245], %add3A_243 : memref<1024x3xf32, #tpu.memory_space<vmem>>[vector<16xi32>, vector<16xi32>], vector<16xf32>,
        %broadcast_in_dim3A_246 = arith.constant 2 : i32
        %broadcast_in_dim3A_247 = vector.broadcast %broadcast_in_dim3A_246 : i32 to vector<16xi32>
        %gather3A_248 = tpu.vector_load_idx %arg14[%add3A_199, %broadcast_in_dim3A_247] : memref<1024x8xf32, #tpu.memory_space<vmem>>[vector<16xi32>, vector<16xi32>], vector<16xf32>,
        %broadcast_in_dim3A_249 = arith.constant 5 : i32
        %broadcast_in_dim3A_250 = vector.broadcast %broadcast_in_dim3A_249 : i32 to vector<16xi32>
        %gather3A_251 = tpu.vector_load_idx %arg14[%add3A_199, %broadcast_in_dim3A_250] : memref<1024x8xf32, #tpu.memory_space<vmem>>[vector<16xi32>, vector<16xi32>], vector<16xf32>,
        %broadcast_in_dim3A_252 = arith.constant 2 : i32
        %broadcast_in_dim3A_253 = vector.broadcast %broadcast_in_dim3A_252 : i32 to vector<16xi32>
        %gather3A_254 = tpu.vector_load_idx %arg15[%add3A_199, %broadcast_in_dim3A_253] : memref<1024x8xf32, #tpu.memory_space<vmem>>[vector<16xi32>, vector<16xi32>], vector<16xf32>,
        %broadcast_in_dim3A_255 = arith.constant 5 : i32
        %broadcast_in_dim3A_256 = vector.broadcast %broadcast_in_dim3A_255 : i32 to vector<16xi32>
        %gather3A_257 = tpu.vector_load_idx %arg15[%add3A_199, %broadcast_in_dim3A_256] : memref<1024x8xf32, #tpu.memory_space<vmem>>[vector<16xi32>, vector<16xi32>], vector<16xf32>,
        %sub3A_258 = arith.subf %gather3A_251, %gather3A_248 : vector<16xf32>
        %mul3A_259 = arith.mulf %get3A_200, %sub3A_258 : vector<16xf32>
        %add3A_260 = arith.addf %gather3A_248, %mul3A_259 : vector<16xf32>
        %sub3A_261 = arith.subf %gather3A_257, %gather3A_254 : vector<16xf32>
        %mul3A_262 = arith.mulf %get3A_200, %sub3A_261 : vector<16xf32>
        %add3A_263 = arith.addf %gather3A_254, %mul3A_262 : vector<16xf32>
        %sub3A_264 = arith.subf %add3A_263, %add3A_260 : vector<16xf32>
        %mul3A_265 = arith.mulf %get3A_202, %sub3A_264 : vector<16xf32>
        %add3A_266 = arith.addf %add3A_260, %mul3A_265 : vector<16xf32>
        %broadcast_in_dim3A_267 = arith.constant 2 : i32
        %broadcast_in_dim3A_268 = vector.broadcast %broadcast_in_dim3A_267 : i32 to vector<16xi32>
        tpu.vector_store_idx %arg16[%add3A_199, %broadcast_in_dim3A_268], %add3A_266 : memref<1024x3xf32, #tpu.memory_space<vmem>>[vector<16xi32>, vector<16xi32>], vector<16xf32>,
      }
      %scan3A_116 = arith.constant 64 : i32
      %mul3A_117 = arith.constant 1024 : i32
      %mul3A_118 = arith.muli %mul3A_60, %mul3A_117 : i32
      %add3A_119 = arith.addi %mul3A_2, %mul3A_118 : i32
      %dma_start3A_120 = arith.constant 0 : i32
      %dma_start3A_121 = tpu.memref_slice %arg6[%add3A_119, %dma_start3A_120] : memref<2097152x3xf32, #tpu.memory_space<hbm>> -> memref<1024x3xf32, #tpu.memory_space<hbm>>
      %dma_start3A_122 = arith.constant 0 : i32
      %dma_start3A_123 = tpu.memref_slice %arg6[%add3A_119, %dma_start3A_122] : memref<2097152x3xf32, #tpu.memory_space<hbm>> -> memref<1024x3xf32, #tpu.memory_space<hbm>>
      tpu.enqueue_dma source(%arg16 : memref<1024x3xf32, #tpu.memory_space<vmem>>) target(%dma_start3A_123 : memref<1024x3xf32, #tpu.memory_space<hbm>>) target_semaphore(%arg30 : memref<!tpu.dma_semaphore, #tpu.memory_space<semaphore_mem>>)
      %dma_wait3A_124 = arith.constant 0 : i32
      %dma_wait3A_125 = arith.constant 0 : i32
      %dma_wait3A_126 = tpu.memref_slice %arg4[%dma_wait3A_124, %dma_wait3A_125] : memref<6471936x8xf32, #tpu.memory_space<hbm>> -> memref<6471936x8xf32, #tpu.memory_space<hbm>>
      tpu.wait_indirect_dma semaphore(%arg28 : memref<!tpu.dma_semaphore, #tpu.memory_space<semaphore_mem>>) src(%dma_wait3A_126 : memref<6471936x8xf32, #tpu.memory_space<hbm>>) dst(%arg23 : memref<1024x8xf32, #tpu.memory_space<vmem>>)
      %scan3A_127 = arith.constant 0 : i32
      %scan3A_128 = arith.constant 0 : i32
      %scan3A_129 = arith.constant 64 : i32
      %scan3A_130 = arith.addi %scan3A_128, %scan3A_129 : i32
      %scan3A_131 = arith.constant 1 : i32
      scf.for %scan3A_193 = %scan3A_128 to %scan3A_130 step %scan3A_131  : i32 {
        %mul3A_194 = arith.constant 16 : i32
        %mul3A_195 = arith.muli %scan3A_193, %mul3A_194 : i32
        %iota3A = tpu.iota {dimensions = array<i32: 0>} : vector<16xi32>
        %mul3A_196 = arith.constant 16 : i32
        %mul3A_197 = arith.muli %scan3A_193, %mul3A_196 : i32
        %add3A_198 = vector.broadcast %mul3A_197 : i32 to vector<16xi32>
        %add3A_199 = arith.addi %iota3A, %add3A_198 : vector<16xi32>
        %get3A = arith.index_cast %mul3A_195 : i32 to index
        %get3A_200 = tpu.vector_load %arg21[%get3A] {strides = array<i32>} : memref<1024xf32, #tpu.memory_space<vmem>>, vector<16xf32>,
        %get3A_201 = arith.index_cast %mul3A_195 : i32 to index
        %get3A_202 = tpu.vector_load %arg22[%get3A_201] {strides = array<i32>} : memref<1024xf32, #tpu.memory_space<vmem>>, vector<16xf32>,
        %broadcast_in_dim3A = arith.constant 0 : i32
        %broadcast_in_dim3A_203 = vector.broadcast %broadcast_in_dim3A : i32 to vector<16xi32>
        %gather3A = tpu.vector_load_idx %arg23[%add3A_199, %broadcast_in_dim3A_203] : memref<1024x8xf32, #tpu.memory_space<vmem>>[vector<16xi32>, vector<16xi32>], vector<16xf32>,
        %broadcast_in_dim3A_204 = arith.constant 2 : i32
        %broadcast_in_dim3A_205 = vector.broadcast %broadcast_in_dim3A_204 : i32 to vector<16xi32>
        %gather3A_206 = tpu.vector_load_idx %arg23[%add3A_199, %broadcast_in_dim3A_205] : memref<1024x8xf32, #tpu.memory_space<vmem>>[vector<16xi32>, vector<16xi32>], vector<16xf32>,
        %broadcast_in_dim3A_207 = arith.constant 4 : i32
        %broadcast_in_dim3A_208 = vector.broadcast %broadcast_in_dim3A_207 : i32 to vector<16xi32>
        %gather3A_209 = tpu.vector_load_idx %arg23[%add3A_199, %broadcast_in_dim3A_208] : memref<1024x8xf32, #tpu.memory_space<vmem>>[vector<16xi32>, vector<16xi32>], vector<16xf32>,
        %broadcast_in_dim3A_210 = arith.constant 6 : i32
        %broadcast_in_dim3A_211 = vector.broadcast %broadcast_in_dim3A_210 : i32 to vector<16xi32>
        %gather3A_212 = tpu.vector_load_idx %arg23[%add3A_199, %broadcast_in_dim3A_211] : memref<1024x8xf32, #tpu.memory_space<vmem>>[vector<16xi32>, vector<16xi32>], vector<16xf32>,
        %sub3A = arith.subf %gather3A_206, %gather3A : vector<16xf32>
        %mul3A_213 = arith.mulf %get3A_200, %sub3A : vector<16xf32>
        %add3A_214 = arith.addf %gather3A, %mul3A_213 : vector<16xf32>
        %sub3A_215 = arith.subf %gather3A_212, %gather3A_209 : vector<16xf32>
        %mul3A_216 = arith.mulf %get3A_200, %sub3A_215 : vector<16xf32>
        %add3A_217 = arith.addf %gather3A_209, %mul3A_216 : vector<16xf32>
        %sub3A_218 = arith.subf %add3A_217, %add3A_214 : vector<16xf32>
        %mul3A_219 = arith.mulf %get3A_202, %sub3A_218 : vector<16xf32>
        %add3A_220 = arith.addf %add3A_214, %mul3A_219 : vector<16xf32>
        %broadcast_in_dim3A_221 = arith.constant 1 : i32
        %broadcast_in_dim3A_222 = vector.broadcast %broadcast_in_dim3A_221 : i32 to vector<16xi32>
        %gather3A_223 = tpu.vector_load_idx %arg23[%add3A_199, %broadcast_in_dim3A_222] : memref<1024x8xf32, #tpu.memory_space<vmem>>[vector<16xi32>, vector<16xi32>], vector<16xf32>,
        %broadcast_in_dim3A_224 = arith.constant 3 : i32
        %broadcast_in_dim3A_225 = vector.broadcast %broadcast_in_dim3A_224 : i32 to vector<16xi32>
        %gather3A_226 = tpu.vector_load_idx %arg23[%add3A_199, %broadcast_in_dim3A_225] : memref<1024x8xf32, #tpu.memory_space<vmem>>[vector<16xi32>, vector<16xi32>], vector<16xf32>,
        %broadcast_in_dim3A_227 = arith.constant 5 : i32
        %broadcast_in_dim3A_228 = vector.broadcast %broadcast_in_dim3A_227 : i32 to vector<16xi32>
        %gather3A_229 = tpu.vector_load_idx %arg23[%add3A_199, %broadcast_in_dim3A_228] : memref<1024x8xf32, #tpu.memory_space<vmem>>[vector<16xi32>, vector<16xi32>], vector<16xf32>,
        %broadcast_in_dim3A_230 = arith.constant 7 : i32
        %broadcast_in_dim3A_231 = vector.broadcast %broadcast_in_dim3A_230 : i32 to vector<16xi32>
        %gather3A_232 = tpu.vector_load_idx %arg23[%add3A_199, %broadcast_in_dim3A_231] : memref<1024x8xf32, #tpu.memory_space<vmem>>[vector<16xi32>, vector<16xi32>], vector<16xf32>,
        %sub3A_233 = arith.subf %gather3A_226, %gather3A_223 : vector<16xf32>
        %mul3A_234 = arith.mulf %get3A_200, %sub3A_233 : vector<16xf32>
        %add3A_235 = arith.addf %gather3A_223, %mul3A_234 : vector<16xf32>
        %sub3A_236 = arith.subf %gather3A_232, %gather3A_229 : vector<16xf32>
        %mul3A_237 = arith.mulf %get3A_200, %sub3A_236 : vector<16xf32>
        %add3A_238 = arith.addf %gather3A_229, %mul3A_237 : vector<16xf32>
        %sub3A_239 = arith.subf %add3A_238, %add3A_235 : vector<16xf32>
        %mul3A_240 = arith.mulf %get3A_202, %sub3A_239 : vector<16xf32>
        %add3A_241 = arith.addf %add3A_235, %mul3A_240 : vector<16xf32>
        %jit3A = arith.constant 0.000000e+00 : f32
        %jit3A_242 = arith.constant 1.000000e+00 : f32
        %max3A = vector.broadcast %jit3A : f32 to vector<16xf32>
        %max3A_243 = arith.maximumf %max3A, %add3A_220 : vector<16xf32>
        %min3A_244 = vector.broadcast %jit3A_242 : f32 to vector<16xf32>
        %min3A_245 = arith.minimumf %min3A_244, %max3A_243 : vector<16xf32>
        %mul3A_246 = arith.constant 6.350000e+02 : f32
        %mul3A_247 = vector.broadcast %mul3A_246 : f32 to vector<16xf32>
        %mul3A_248 = arith.mulf %min3A_245, %mul3A_247 : vector<16xf32>
        %jit3A_249 = arith.constant 0.000000e+00 : f32
        %jit3A_250 = arith.constant 1.000000e+00 : f32
        %max3A_251 = vector.broadcast %jit3A_249 : f32 to vector<16xf32>
        %max3A_252 = arith.maximumf %max3A_251, %add3A_241 : vector<16xf32>
        %min3A_253 = vector.broadcast %jit3A_250 : f32 to vector<16xf32>
        %min3A_254 = arith.minimumf %min3A_253, %max3A_252 : vector<16xf32>
        %mul3A_255 = arith.constant 6.350000e+02 : f32
        %mul3A_256 = vector.broadcast %mul3A_255 : f32 to vector<16xf32>
        %mul3A_257 = arith.mulf %min3A_254, %mul3A_256 : vector<16xf32>
        %convert_element_type3A_258 = arith.fptosi %mul3A_248 : vector<16xf32> to vector<16xi32>
        %convert_element_type3A_259 = arith.fptosi %mul3A_257 : vector<16xf32> to vector<16xi32>
        %convert_element_type3A_260 = arith.sitofp %convert_element_type3A_258 : vector<16xi32> to vector<16xf32>
        %sub3A_261 = arith.subf %mul3A_248, %convert_element_type3A_260 : vector<16xf32>
        %swap3A = arith.index_cast %mul3A_195 : i32 to index
        %swap3A_262 = tpu.vector_load %arg21[%swap3A] {strides = array<i32>} : memref<1024xf32, #tpu.memory_space<vmem>>, vector<16xf32>,
        tpu.vector_store %arg21[%swap3A], %sub3A_261 {strides = array<i32>} : memref<1024xf32, #tpu.memory_space<vmem>>, vector<16xf32>,
        %convert_element_type3A_263 = arith.sitofp %convert_element_type3A_259 : vector<16xi32> to vector<16xf32>
        %sub3A_264 = arith.subf %mul3A_257, %convert_element_type3A_263 : vector<16xf32>
        %swap3A_265 = arith.index_cast %mul3A_195 : i32 to index
        %swap3A_266 = tpu.vector_load %arg22[%swap3A_265] {strides = array<i32>} : memref<1024xf32, #tpu.memory_space<vmem>>, vector<16xf32>,
        tpu.vector_store %arg22[%swap3A_265], %sub3A_264 {strides = array<i32>} : memref<1024xf32, #tpu.memory_space<vmem>>, vector<16xf32>,
        %add3A_267 = arith.constant 1 : i32
        %add3A_268 = vector.broadcast %add3A_267 : i32 to vector<16xi32>
        %add3A_269 = arith.addi %convert_element_type3A_259, %add3A_268 : vector<16xi32>
        %min3A_270 = arith.constant 635 : i32
        %min3A_271 = vector.broadcast %min3A_270 : i32 to vector<16xi32>
        %min3A_272 = arith.minsi %add3A_269, %min3A_271 : vector<16xi32>
        %mul3A_273 = arith.constant 636 : i32
        %mul3A_274 = vector.broadcast %mul3A_273 : i32 to vector<16xi32>
        %mul3A_275 = arith.muli %convert_element_type3A_259, %mul3A_274 : vector<16xi32>
        %add3A_276 = arith.addi %mul3A_275, %convert_element_type3A_258 : vector<16xi32>
        %swap3A_277 = arith.index_cast %mul3A_195 : i32 to index
        %swap3A_278 = tpu.vector_load %arg19[%swap3A_277] {strides = array<i32>} : memref<1024xi32, #tpu.memory_space<vmem>>, vector<16xi32>,
        tpu.vector_store %arg19[%swap3A_277], %add3A_276 {strides = array<i32>} : memref<1024xi32, #tpu.memory_space<vmem>>, vector<16xi32>,
        %mul3A_279 = arith.constant 636 : i32
        %mul3A_280 = vector.broadcast %mul3A_279 : i32 to vector<16xi32>
        %mul3A_281 = arith.muli %min3A_272, %mul3A_280 : vector<16xi32>
        %add3A_282 = arith.addi %mul3A_281, %convert_element_type3A_258 : vector<16xi32>
        %swap3A_283 = arith.index_cast %mul3A_195 : i32 to index
        %swap3A_284 = tpu.vector_load %arg20[%swap3A_283] {strides = array<i32>} : memref<1024xi32, #tpu.memory_space<vmem>>, vector<16xi32>,
        tpu.vector_store %arg20[%swap3A_283], %add3A_282 {strides = array<i32>} : memref<1024xi32, #tpu.memory_space<vmem>>, vector<16xi32>,
      }
      %scan3A_132 = arith.constant 64 : i32
      %dma_start3A_133 = arith.constant 0 : i32
      %dma_start3A_134 = arith.constant 0 : i32
      %dma_start3A_135 = tpu.memref_slice %arg5[%dma_start3A_133, %dma_start3A_134] : memref<404496x8xf32, #tpu.memory_space<hbm>> -> memref<404496x8xf32, #tpu.memory_space<hbm>>
      tpu.enqueue_indirect_dma source(%dma_start3A_135 : memref<404496x8xf32, #tpu.memory_space<hbm>>) target(%arg24 : memref<1024x8xf32, #tpu.memory_space<vmem>>) offsets(%arg19 : memref<1024xi32, #tpu.memory_space<vmem>>) semaphore(%arg29 : memref<!tpu.dma_semaphore, #tpu.memory_space<semaphore_mem>>)
      %dma_start3A_136 = arith.constant 0 : i32
      %dma_start3A_137 = arith.constant 0 : i32
      %dma_start3A_138 = tpu.memref_slice %arg5[%dma_start3A_136, %dma_start3A_137] : memref<404496x8xf32, #tpu.memory_space<hbm>> -> memref<404496x8xf32, #tpu.memory_space<hbm>>
      tpu.enqueue_indirect_dma source(%dma_start3A_138 : memref<404496x8xf32, #tpu.memory_space<hbm>>) target(%arg25 : memref<1024x8xf32, #tpu.memory_space<vmem>>) offsets(%arg20 : memref<1024xi32, #tpu.memory_space<vmem>>) semaphore(%arg29 : memref<!tpu.dma_semaphore, #tpu.memory_space<semaphore_mem>>)
      %dma_wait3A_139 = arith.constant 0 : i32
      %dma_wait3A_140 = tpu.memref_slice %arg2[%dma_wait3A_139] : memref<2097152xf32, #tpu.memory_space<hbm>> -> memref<1024xf32, #tpu.memory_space<hbm>>
      %dma_wait3A_141 = arith.constant 0 : i32
      %dma_wait3A_142 = tpu.memref_slice %arg2[%dma_wait3A_141] : memref<2097152xf32, #tpu.memory_space<hbm>> -> memref<1024xf32, #tpu.memory_space<hbm>>
      tpu.wait_dma2 semaphore(%arg27 : memref<!tpu.dma_semaphore, #tpu.memory_space<semaphore_mem>>) src(%dma_wait3A_142 : memref<1024xf32, #tpu.memory_space<hbm>>) dst(%arg7 : memref<1024xf32, #tpu.memory_space<vmem>>)
      %dma_wait3A_143 = arith.constant 0 : i32
      %dma_wait3A_144 = tpu.memref_slice %arg3[%dma_wait3A_143] : memref<2097152xf32, #tpu.memory_space<hbm>> -> memref<1024xf32, #tpu.memory_space<hbm>>
      %dma_wait3A_145 = arith.constant 0 : i32
      %dma_wait3A_146 = tpu.memref_slice %arg3[%dma_wait3A_145] : memref<2097152xf32, #tpu.memory_space<hbm>> -> memref<1024xf32, #tpu.memory_space<hbm>>
      tpu.wait_dma2 semaphore(%arg27 : memref<!tpu.dma_semaphore, #tpu.memory_space<semaphore_mem>>) src(%dma_wait3A_146 : memref<1024xf32, #tpu.memory_space<hbm>>) dst(%arg8 : memref<1024xf32, #tpu.memory_space<vmem>>)
      %scan3A_147 = arith.constant 0 : i32
      %scan3A_148 = arith.constant 0 : i32
      %scan3A_149 = arith.constant 64 : i32
      %scan3A_150 = arith.addi %scan3A_148, %scan3A_149 : i32
      %scan3A_151 = arith.constant 1 : i32
      scf.for %scan3A_193 = %scan3A_148 to %scan3A_150 step %scan3A_151  : i32 {
        %mul3A_194 = arith.constant 16 : i32
        %mul3A_195 = arith.muli %scan3A_193, %mul3A_194 : i32
        %get3A = arith.index_cast %mul3A_195 : i32 to index
        %get3A_196 = tpu.vector_load %arg7[%get3A] {strides = array<i32>} : memref<1024xf32, #tpu.memory_space<vmem>>, vector<16xf32>,
        %jit3A = arith.constant 0.000000e+00 : f32
        %jit3A_197 = arith.constant 1.000000e+00 : f32
        %max3A = vector.broadcast %jit3A : f32 to vector<16xf32>
        %max3A_198 = arith.maximumf %max3A, %get3A_196 : vector<16xf32>
        %min3A_199 = vector.broadcast %jit3A_197 : f32 to vector<16xf32>
        %min3A_200 = arith.minimumf %min3A_199, %max3A_198 : vector<16xf32>
        %mul3A_201 = arith.constant 2.543000e+03 : f32
        %mul3A_202 = vector.broadcast %mul3A_201 : f32 to vector<16xf32>
        %mul3A_203 = arith.mulf %min3A_200, %mul3A_202 : vector<16xf32>
        %get3A_204 = arith.index_cast %mul3A_195 : i32 to index
        %get3A_205 = tpu.vector_load %arg8[%get3A_204] {strides = array<i32>} : memref<1024xf32, #tpu.memory_space<vmem>>, vector<16xf32>,
        %jit3A_206 = arith.constant 0.000000e+00 : f32
        %jit3A_207 = arith.constant 1.000000e+00 : f32
        %max3A_208 = vector.broadcast %jit3A_206 : f32 to vector<16xf32>
        %max3A_209 = arith.maximumf %max3A_208, %get3A_205 : vector<16xf32>
        %min3A_210 = vector.broadcast %jit3A_207 : f32 to vector<16xf32>
        %min3A_211 = arith.minimumf %min3A_210, %max3A_209 : vector<16xf32>
        %mul3A_212 = arith.constant 2.543000e+03 : f32
        %mul3A_213 = vector.broadcast %mul3A_212 : f32 to vector<16xf32>
        %mul3A_214 = arith.mulf %min3A_211, %mul3A_213 : vector<16xf32>
        %convert_element_type3A_215 = arith.fptosi %mul3A_203 : vector<16xf32> to vector<16xi32>
        %convert_element_type3A_216 = arith.fptosi %mul3A_214 : vector<16xf32> to vector<16xi32>
        %convert_element_type3A_217 = arith.sitofp %convert_element_type3A_215 : vector<16xi32> to vector<16xf32>
        %sub3A = arith.subf %mul3A_203, %convert_element_type3A_217 : vector<16xf32>
        %swap3A = arith.index_cast %mul3A_195 : i32 to index
        %swap3A_218 = tpu.vector_load %arg11[%swap3A] {strides = array<i32>} : memref<1024xf32, #tpu.memory_space<vmem>>, vector<16xf32>,
        tpu.vector_store %arg11[%swap3A], %sub3A {strides = array<i32>} : memref<1024xf32, #tpu.memory_space<vmem>>, vector<16xf32>,
        %convert_element_type3A_219 = arith.sitofp %convert_element_type3A_216 : vector<16xi32> to vector<16xf32>
        %sub3A_220 = arith.subf %mul3A_214, %convert_element_type3A_219 : vector<16xf32>
        %swap3A_221 = arith.index_cast %mul3A_195 : i32 to index
        %swap3A_222 = tpu.vector_load %arg12[%swap3A_221] {strides = array<i32>} : memref<1024xf32, #tpu.memory_space<vmem>>, vector<16xf32>,
        tpu.vector_store %arg12[%swap3A_221], %sub3A_220 {strides = array<i32>} : memref<1024xf32, #tpu.memory_space<vmem>>, vector<16xf32>,
        %mul3A_223 = arith.constant 2544 : i32
        %mul3A_224 = vector.broadcast %mul3A_223 : i32 to vector<16xi32>
        %mul3A_225 = arith.muli %convert_element_type3A_216, %mul3A_224 : vector<16xi32>
        %add3A_226 = arith.addi %mul3A_225, %convert_element_type3A_215 : vector<16xi32>
        %swap3A_227 = arith.index_cast %mul3A_195 : i32 to index
        %swap3A_228 = tpu.vector_load %arg9[%swap3A_227] {strides = array<i32>} : memref<1024xi32, #tpu.memory_space<vmem>>, vector<16xi32>,
        tpu.vector_store %arg9[%swap3A_227], %add3A_226 {strides = array<i32>} : memref<1024xi32, #tpu.memory_space<vmem>>, vector<16xi32>,
      }
      %scan3A_152 = arith.constant 64 : i32
      %dma_start3A_153 = arith.constant 0 : i32
      %dma_start3A_154 = arith.constant 0 : i32
      %dma_start3A_155 = tpu.memref_slice %arg4[%dma_start3A_153, %dma_start3A_154] : memref<6471936x8xf32, #tpu.memory_space<hbm>> -> memref<6471936x8xf32, #tpu.memory_space<hbm>>
      tpu.enqueue_indirect_dma source(%dma_start3A_155 : memref<6471936x8xf32, #tpu.memory_space<hbm>>) target(%arg13 : memref<1024x8xf32, #tpu.memory_space<vmem>>) offsets(%arg9 : memref<1024xi32, #tpu.memory_space<vmem>>) semaphore(%arg28 : memref<!tpu.dma_semaphore, #tpu.memory_space<semaphore_mem>>)
      %add3A_156 = arith.constant 3 : i32
      %add3A_157 = arith.addi %mul3A_60, %add3A_156 : i32
      %min3A_158 = arith.constant 63 : i32
      %min3A_159 = arith.minsi %add3A_157, %min3A_158 : i32
      %mul3A_160 = arith.constant 1024 : i32
      %mul3A_161 = arith.muli %min3A_159, %mul3A_160 : i32
      %add3A_162 = arith.addi %mul3A_2, %mul3A_161 : i32
      %dma_start3A_163 = tpu.memref_slice %arg2[%add3A_162] : memref<2097152xf32, #tpu.memory_space<hbm>> -> memref<1024xf32, #tpu.memory_space<hbm>>
      %dma_start3A_164 = tpu.memref_slice %arg2[%add3A_162] : memref<2097152xf32, #tpu.memory_space<hbm>> -> memref<1024xf32, #tpu.memory_space<hbm>>
      tpu.enqueue_dma source(%dma_start3A_164 : memref<1024xf32, #tpu.memory_space<hbm>>) target(%arg17 : memref<1024xf32, #tpu.memory_space<vmem>>) target_semaphore(%arg27 : memref<!tpu.dma_semaphore, #tpu.memory_space<semaphore_mem>>)
      %dma_start3A_165 = tpu.memref_slice %arg3[%add3A_162] : memref<2097152xf32, #tpu.memory_space<hbm>> -> memref<1024xf32, #tpu.memory_space<hbm>>
      %dma_start3A_166 = tpu.memref_slice %arg3[%add3A_162] : memref<2097152xf32, #tpu.memory_space<hbm>> -> memref<1024xf32, #tpu.memory_space<hbm>>
      tpu.enqueue_dma source(%dma_start3A_166 : memref<1024xf32, #tpu.memory_space<hbm>>) target(%arg18 : memref<1024xf32, #tpu.memory_space<vmem>>) target_semaphore(%arg27 : memref<!tpu.dma_semaphore, #tpu.memory_space<semaphore_mem>>)
      %dma_wait3A_167 = arith.constant 0 : i32
      %dma_wait3A_168 = arith.constant 0 : i32
      %dma_wait3A_169 = tpu.memref_slice %arg5[%dma_wait3A_167, %dma_wait3A_168] : memref<404496x8xf32, #tpu.memory_space<hbm>> -> memref<404496x8xf32, #tpu.memory_space<hbm>>
      tpu.wait_indirect_dma semaphore(%arg29 : memref<!tpu.dma_semaphore, #tpu.memory_space<semaphore_mem>>) src(%dma_wait3A_169 : memref<404496x8xf32, #tpu.memory_space<hbm>>) dst(%arg24 : memref<1024x8xf32, #tpu.memory_space<vmem>>)
      %dma_wait3A_170 = arith.constant 0 : i32
      %dma_wait3A_171 = arith.constant 0 : i32
      %dma_wait3A_172 = tpu.memref_slice %arg5[%dma_wait3A_170, %dma_wait3A_171] : memref<404496x8xf32, #tpu.memory_space<hbm>> -> memref<404496x8xf32, #tpu.memory_space<hbm>>
      tpu.wait_indirect_dma semaphore(%arg29 : memref<!tpu.dma_semaphore, #tpu.memory_space<semaphore_mem>>) src(%dma_wait3A_172 : memref<404496x8xf32, #tpu.memory_space<hbm>>) dst(%arg25 : memref<1024x8xf32, #tpu.memory_space<vmem>>)
      %gt3A_173 = arith.constant 0 : i32
      %gt3A_174 = arith.cmpi sgt, %scan3A_58, %gt3A_173 : i32
      %convert_element_type3A_175 = arith.extui %gt3A_174 : i1 to i32
      %cond3A_176 = arith.constant 0 : i32
      %cond3A_177 = arith.cmpi ne, %convert_element_type3A_175, %cond3A_176 : i32
      scf.if %cond3A_177 {
        %dma_wait3A_193 = arith.constant 0 : i32
        %dma_wait3A_194 = arith.constant 0 : i32
        %dma_wait3A_195 = tpu.memref_slice %arg6[%dma_wait3A_193, %dma_wait3A_194] : memref<2097152x3xf32, #tpu.memory_space<hbm>> -> memref<1024x3xf32, #tpu.memory_space<hbm>>
        %dma_wait3A_196 = arith.constant 0 : i32
        %dma_wait3A_197 = arith.constant 0 : i32
        %dma_wait3A_198 = tpu.memref_slice %arg6[%dma_wait3A_196, %dma_wait3A_197] : memref<2097152x3xf32, #tpu.memory_space<hbm>> -> memref<1024x3xf32, #tpu.memory_space<hbm>>
        tpu.wait_dma2 semaphore(%arg30 : memref<!tpu.dma_semaphore, #tpu.memory_space<semaphore_mem>>) src(%arg26 : memref<1024x3xf32, #tpu.memory_space<vmem>>) dst(%dma_wait3A_198 : memref<1024x3xf32, #tpu.memory_space<hbm>>)
      } else {
      }
      %scan3A_178 = arith.constant 0 : i32
      %scan3A_179 = arith.constant 0 : i32
      %scan3A_180 = arith.constant 64 : i32
      %scan3A_181 = arith.addi %scan3A_179, %scan3A_180 : i32
      %scan3A_182 = arith.constant 1 : i32
      scf.for %scan3A_193 = %scan3A_179 to %scan3A_181 step %scan3A_182  : i32 {
        %mul3A_194 = arith.constant 16 : i32
        %mul3A_195 = arith.muli %scan3A_193, %mul3A_194 : i32
        %iota3A = tpu.iota {dimensions = array<i32: 0>} : vector<16xi32>
        %mul3A_196 = arith.constant 16 : i32
        %mul3A_197 = arith.muli %scan3A_193, %mul3A_196 : i32
        %add3A_198 = vector.broadcast %mul3A_197 : i32 to vector<16xi32>
        %add3A_199 = arith.addi %iota3A, %add3A_198 : vector<16xi32>
        %get3A = arith.index_cast %mul3A_195 : i32 to index
        %get3A_200 = tpu.vector_load %arg21[%get3A] {strides = array<i32>} : memref<1024xf32, #tpu.memory_space<vmem>>, vector<16xf32>,
        %get3A_201 = arith.index_cast %mul3A_195 : i32 to index
        %get3A_202 = tpu.vector_load %arg22[%get3A_201] {strides = array<i32>} : memref<1024xf32, #tpu.memory_space<vmem>>, vector<16xf32>,
        %broadcast_in_dim3A = arith.constant 0 : i32
        %broadcast_in_dim3A_203 = vector.broadcast %broadcast_in_dim3A : i32 to vector<16xi32>
        %gather3A = tpu.vector_load_idx %arg24[%add3A_199, %broadcast_in_dim3A_203] : memref<1024x8xf32, #tpu.memory_space<vmem>>[vector<16xi32>, vector<16xi32>], vector<16xf32>,
        %broadcast_in_dim3A_204 = arith.constant 3 : i32
        %broadcast_in_dim3A_205 = vector.broadcast %broadcast_in_dim3A_204 : i32 to vector<16xi32>
        %gather3A_206 = tpu.vector_load_idx %arg24[%add3A_199, %broadcast_in_dim3A_205] : memref<1024x8xf32, #tpu.memory_space<vmem>>[vector<16xi32>, vector<16xi32>], vector<16xf32>,
        %broadcast_in_dim3A_207 = arith.constant 0 : i32
        %broadcast_in_dim3A_208 = vector.broadcast %broadcast_in_dim3A_207 : i32 to vector<16xi32>
        %gather3A_209 = tpu.vector_load_idx %arg25[%add3A_199, %broadcast_in_dim3A_208] : memref<1024x8xf32, #tpu.memory_space<vmem>>[vector<16xi32>, vector<16xi32>], vector<16xf32>,
        %broadcast_in_dim3A_210 = arith.constant 3 : i32
        %broadcast_in_dim3A_211 = vector.broadcast %broadcast_in_dim3A_210 : i32 to vector<16xi32>
        %gather3A_212 = tpu.vector_load_idx %arg25[%add3A_199, %broadcast_in_dim3A_211] : memref<1024x8xf32, #tpu.memory_space<vmem>>[vector<16xi32>, vector<16xi32>], vector<16xf32>,
        %sub3A = arith.subf %gather3A_206, %gather3A : vector<16xf32>
        %mul3A_213 = arith.mulf %get3A_200, %sub3A : vector<16xf32>
        %add3A_214 = arith.addf %gather3A, %mul3A_213 : vector<16xf32>
        %sub3A_215 = arith.subf %gather3A_212, %gather3A_209 : vector<16xf32>
        %mul3A_216 = arith.mulf %get3A_200, %sub3A_215 : vector<16xf32>
        %add3A_217 = arith.addf %gather3A_209, %mul3A_216 : vector<16xf32>
        %sub3A_218 = arith.subf %add3A_217, %add3A_214 : vector<16xf32>
        %mul3A_219 = arith.mulf %get3A_202, %sub3A_218 : vector<16xf32>
        %add3A_220 = arith.addf %add3A_214, %mul3A_219 : vector<16xf32>
        %broadcast_in_dim3A_221 = arith.constant 0 : i32
        %broadcast_in_dim3A_222 = vector.broadcast %broadcast_in_dim3A_221 : i32 to vector<16xi32>
        tpu.vector_store_idx %arg26[%add3A_199, %broadcast_in_dim3A_222], %add3A_220 : memref<1024x3xf32, #tpu.memory_space<vmem>>[vector<16xi32>, vector<16xi32>], vector<16xf32>,
        %broadcast_in_dim3A_223 = arith.constant 1 : i32
        %broadcast_in_dim3A_224 = vector.broadcast %broadcast_in_dim3A_223 : i32 to vector<16xi32>
        %gather3A_225 = tpu.vector_load_idx %arg24[%add3A_199, %broadcast_in_dim3A_224] : memref<1024x8xf32, #tpu.memory_space<vmem>>[vector<16xi32>, vector<16xi32>], vector<16xf32>,
        %broadcast_in_dim3A_226 = arith.constant 4 : i32
        %broadcast_in_dim3A_227 = vector.broadcast %broadcast_in_dim3A_226 : i32 to vector<16xi32>
        %gather3A_228 = tpu.vector_load_idx %arg24[%add3A_199, %broadcast_in_dim3A_227] : memref<1024x8xf32, #tpu.memory_space<vmem>>[vector<16xi32>, vector<16xi32>], vector<16xf32>,
        %broadcast_in_dim3A_229 = arith.constant 1 : i32
        %broadcast_in_dim3A_230 = vector.broadcast %broadcast_in_dim3A_229 : i32 to vector<16xi32>
        %gather3A_231 = tpu.vector_load_idx %arg25[%add3A_199, %broadcast_in_dim3A_230] : memref<1024x8xf32, #tpu.memory_space<vmem>>[vector<16xi32>, vector<16xi32>], vector<16xf32>,
        %broadcast_in_dim3A_232 = arith.constant 4 : i32
        %broadcast_in_dim3A_233 = vector.broadcast %broadcast_in_dim3A_232 : i32 to vector<16xi32>
        %gather3A_234 = tpu.vector_load_idx %arg25[%add3A_199, %broadcast_in_dim3A_233] : memref<1024x8xf32, #tpu.memory_space<vmem>>[vector<16xi32>, vector<16xi32>], vector<16xf32>,
        %sub3A_235 = arith.subf %gather3A_228, %gather3A_225 : vector<16xf32>
        %mul3A_236 = arith.mulf %get3A_200, %sub3A_235 : vector<16xf32>
        %add3A_237 = arith.addf %gather3A_225, %mul3A_236 : vector<16xf32>
        %sub3A_238 = arith.subf %gather3A_234, %gather3A_231 : vector<16xf32>
        %mul3A_239 = arith.mulf %get3A_200, %sub3A_238 : vector<16xf32>
        %add3A_240 = arith.addf %gather3A_231, %mul3A_239 : vector<16xf32>
        %sub3A_241 = arith.subf %add3A_240, %add3A_237 : vector<16xf32>
        %mul3A_242 = arith.mulf %get3A_202, %sub3A_241 : vector<16xf32>
        %add3A_243 = arith.addf %add3A_237, %mul3A_242 : vector<16xf32>
        %broadcast_in_dim3A_244 = arith.constant 1 : i32
        %broadcast_in_dim3A_245 = vector.broadcast %broadcast_in_dim3A_244 : i32 to vector<16xi32>
        tpu.vector_store_idx %arg26[%add3A_199, %broadcast_in_dim3A_245], %add3A_243 : memref<1024x3xf32, #tpu.memory_space<vmem>>[vector<16xi32>, vector<16xi32>], vector<16xf32>,
        %broadcast_in_dim3A_246 = arith.constant 2 : i32
        %broadcast_in_dim3A_247 = vector.broadcast %broadcast_in_dim3A_246 : i32 to vector<16xi32>
        %gather3A_248 = tpu.vector_load_idx %arg24[%add3A_199, %broadcast_in_dim3A_247] : memref<1024x8xf32, #tpu.memory_space<vmem>>[vector<16xi32>, vector<16xi32>], vector<16xf32>,
        %broadcast_in_dim3A_249 = arith.constant 5 : i32
        %broadcast_in_dim3A_250 = vector.broadcast %broadcast_in_dim3A_249 : i32 to vector<16xi32>
        %gather3A_251 = tpu.vector_load_idx %arg24[%add3A_199, %broadcast_in_dim3A_250] : memref<1024x8xf32, #tpu.memory_space<vmem>>[vector<16xi32>, vector<16xi32>], vector<16xf32>,
        %broadcast_in_dim3A_252 = arith.constant 2 : i32
        %broadcast_in_dim3A_253 = vector.broadcast %broadcast_in_dim3A_252 : i32 to vector<16xi32>
        %gather3A_254 = tpu.vector_load_idx %arg25[%add3A_199, %broadcast_in_dim3A_253] : memref<1024x8xf32, #tpu.memory_space<vmem>>[vector<16xi32>, vector<16xi32>], vector<16xf32>,
        %broadcast_in_dim3A_255 = arith.constant 5 : i32
        %broadcast_in_dim3A_256 = vector.broadcast %broadcast_in_dim3A_255 : i32 to vector<16xi32>
        %gather3A_257 = tpu.vector_load_idx %arg25[%add3A_199, %broadcast_in_dim3A_256] : memref<1024x8xf32, #tpu.memory_space<vmem>>[vector<16xi32>, vector<16xi32>], vector<16xf32>,
        %sub3A_258 = arith.subf %gather3A_251, %gather3A_248 : vector<16xf32>
        %mul3A_259 = arith.mulf %get3A_200, %sub3A_258 : vector<16xf32>
        %add3A_260 = arith.addf %gather3A_248, %mul3A_259 : vector<16xf32>
        %sub3A_261 = arith.subf %gather3A_257, %gather3A_254 : vector<16xf32>
        %mul3A_262 = arith.mulf %get3A_200, %sub3A_261 : vector<16xf32>
        %add3A_263 = arith.addf %gather3A_254, %mul3A_262 : vector<16xf32>
        %sub3A_264 = arith.subf %add3A_263, %add3A_260 : vector<16xf32>
        %mul3A_265 = arith.mulf %get3A_202, %sub3A_264 : vector<16xf32>
        %add3A_266 = arith.addf %add3A_260, %mul3A_265 : vector<16xf32>
        %broadcast_in_dim3A_267 = arith.constant 2 : i32
        %broadcast_in_dim3A_268 = vector.broadcast %broadcast_in_dim3A_267 : i32 to vector<16xi32>
        tpu.vector_store_idx %arg26[%add3A_199, %broadcast_in_dim3A_268], %add3A_266 : memref<1024x3xf32, #tpu.memory_space<vmem>>[vector<16xi32>, vector<16xi32>], vector<16xf32>,
      }
      %scan3A_183 = arith.constant 64 : i32
      %add3A_184 = arith.constant 1 : i32
      %add3A_185 = arith.addi %mul3A_60, %add3A_184 : i32
      %mul3A_186 = arith.constant 1024 : i32
      %mul3A_187 = arith.muli %add3A_185, %mul3A_186 : i32
      %add3A_188 = arith.addi %mul3A_2, %mul3A_187 : i32
      %dma_start3A_189 = arith.constant 0 : i32
      %dma_start3A_190 = tpu.memref_slice %arg6[%add3A_188, %dma_start3A_189] : memref<2097152x3xf32, #tpu.memory_space<hbm>> -> memref<1024x3xf32, #tpu.memory_space<hbm>>
      %dma_start3A_191 = arith.constant 0 : i32
      %dma_start3A_192 = tpu.memref_slice %arg6[%add3A_188, %dma_start3A_191] : memref<2097152x3xf32, #tpu.memory_space<hbm>> -> memref<1024x3xf32, #tpu.memory_space<hbm>>
      tpu.enqueue_dma source(%arg26 : memref<1024x3xf32, #tpu.memory_space<vmem>>) target(%dma_start3A_192 : memref<1024x3xf32, #tpu.memory_space<hbm>>) target_semaphore(%arg30 : memref<!tpu.dma_semaphore, #tpu.memory_space<semaphore_mem>>)
    }
    %scan3A_34 = arith.constant 32 : i32
    %dma_wait3A_35 = arith.constant 0 : i32
    %dma_wait3A_36 = arith.constant 0 : i32
    %dma_wait3A_37 = tpu.memref_slice %arg4[%dma_wait3A_35, %dma_wait3A_36] : memref<6471936x8xf32, #tpu.memory_space<hbm>> -> memref<6471936x8xf32, #tpu.memory_space<hbm>>
    tpu.wait_indirect_dma semaphore(%arg28 : memref<!tpu.dma_semaphore, #tpu.memory_space<semaphore_mem>>) src(%dma_wait3A_37 : memref<6471936x8xf32, #tpu.memory_space<hbm>>) dst(%arg13 : memref<1024x8xf32, #tpu.memory_space<vmem>>)
    %dma_wait3A_38 = arith.constant 0 : i32
    %dma_wait3A_39 = tpu.memref_slice %arg2[%dma_wait3A_38] : memref<2097152xf32, #tpu.memory_space<hbm>> -> memref<1024xf32, #tpu.memory_space<hbm>>
    %dma_wait3A_40 = arith.constant 0 : i32
    %dma_wait3A_41 = tpu.memref_slice %arg2[%dma_wait3A_40] : memref<2097152xf32, #tpu.memory_space<hbm>> -> memref<1024xf32, #tpu.memory_space<hbm>>
    tpu.wait_dma2 semaphore(%arg27 : memref<!tpu.dma_semaphore, #tpu.memory_space<semaphore_mem>>) src(%dma_wait3A_41 : memref<1024xf32, #tpu.memory_space<hbm>>) dst(%arg17 : memref<1024xf32, #tpu.memory_space<vmem>>)
    %dma_wait3A_42 = arith.constant 0 : i32
    %dma_wait3A_43 = tpu.memref_slice %arg3[%dma_wait3A_42] : memref<2097152xf32, #tpu.memory_space<hbm>> -> memref<1024xf32, #tpu.memory_space<hbm>>
    %dma_wait3A_44 = arith.constant 0 : i32
    %dma_wait3A_45 = tpu.memref_slice %arg3[%dma_wait3A_44] : memref<2097152xf32, #tpu.memory_space<hbm>> -> memref<1024xf32, #tpu.memory_space<hbm>>
    tpu.wait_dma2 semaphore(%arg27 : memref<!tpu.dma_semaphore, #tpu.memory_space<semaphore_mem>>) src(%dma_wait3A_45 : memref<1024xf32, #tpu.memory_space<hbm>>) dst(%arg18 : memref<1024xf32, #tpu.memory_space<vmem>>)
    %dma_wait3A_46 = arith.constant 0 : i32
    %dma_wait3A_47 = arith.constant 0 : i32
    %dma_wait3A_48 = tpu.memref_slice %arg6[%dma_wait3A_46, %dma_wait3A_47] : memref<2097152x3xf32, #tpu.memory_space<hbm>> -> memref<1024x3xf32, #tpu.memory_space<hbm>>
    %dma_wait3A_49 = arith.constant 0 : i32
    %dma_wait3A_50 = arith.constant 0 : i32
    %dma_wait3A_51 = tpu.memref_slice %arg6[%dma_wait3A_49, %dma_wait3A_50] : memref<2097152x3xf32, #tpu.memory_space<hbm>> -> memref<1024x3xf32, #tpu.memory_space<hbm>>
    tpu.wait_dma2 semaphore(%arg30 : memref<!tpu.dma_semaphore, #tpu.memory_space<semaphore_mem>>) src(%arg16 : memref<1024x3xf32, #tpu.memory_space<vmem>>) dst(%dma_wait3A_51 : memref<1024x3xf32, #tpu.memory_space<hbm>>)
    %dma_wait3A_52 = arith.constant 0 : i32
    %dma_wait3A_53 = arith.constant 0 : i32
    %dma_wait3A_54 = tpu.memref_slice %arg6[%dma_wait3A_52, %dma_wait3A_53] : memref<2097152x3xf32, #tpu.memory_space<hbm>> -> memref<1024x3xf32, #tpu.memory_space<hbm>>
    %dma_wait3A_55 = arith.constant 0 : i32
    %dma_wait3A_56 = arith.constant 0 : i32
    %dma_wait3A_57 = tpu.memref_slice %arg6[%dma_wait3A_55, %dma_wait3A_56] : memref<2097152x3xf32, #tpu.memory_space<hbm>> -> memref<1024x3xf32, #tpu.memory_space<hbm>>
    tpu.wait_dma2 semaphore(%arg30 : memref<!tpu.dma_semaphore, #tpu.memory_space<semaphore_mem>>) src(%arg26 : memref<1024x3xf32, #tpu.memory_space<vmem>>) dst(%dma_wait3A_57 : memref<1024x3xf32, #tpu.memory_space<hbm>>)
    return
  }
}

</mosaic_0001>

<sc_bundles>
// kernel: kernel.3.cloned.1.call-start
scs
__scs_entry_jumppad:
0x0: {  	(pc) =	sbr.rel $0x88, $3  }
0x1: {  	(tag) =	ssettag $0x0;
	lr =	simm.s32 $0x1  }
0x2: {  	[smem:$0x3F9E] =	sst lr;
	_ =	strace $0xD0000000  }
0x3: {  	_ = 	snop  }
0x4: {  	_ = 	snop  }
0x5: {  	_ = 	snop  }
0x6: {  	_ = 	snop  }
0x7: {  	_ = 	snop  }
__scs_overlays_trampoline_lowered:
0x8: {  	[smem:$0x3FAD] =	sst s0  }
0x9: {  	[smem:$0x3FAE] =	sst s1  }
0xa: {  	[smem:$0x3FAF] =	sst s2  }
0xb: {  	[smem:$0x3FB0] =	sst s3  }
0xc: {  	[smem:$0x3FB1] =	sst s4  }
0xd: {  	[smem:$0x3FB2] =	sst s5  }
0xe: {  	[smem:$0x3FB3] =	sst s6  }
0xf: {  	[smem:$0x3FB4] =	sst s7  }
0x10: {  	[smem:$0x3FB5] =	sst s8  }
0x11: {  	[smem:$0x3FB6] =	sst s9;
	s0 =	simm.s32 @!p0 $0x0  }
0x12: {  	s1 =	sld [smem:$0x3F9C];
	s0 =	simm.s32 @p0 $0x1  }
0x13: {  	[smem:$0x3FB7] =	sst s0;
	s0 =	simm.s32 @!p1 $0x0  }
0x14: {  	s2 =	sld [smem:$0x3F9B];
	s0 =	simm.s32 @p1 $0x1  }
0x15: {  	[smem:$0x3FB8] =	sst s0;
	s0 =	simm.s32 @!p2 $0x0  }
0x16: {  	s3 =	sld [smem:$0x3FDB];
	s0 =	simm.s32 @p2 $0x1  }
0x17: {  	s4 =	simm.s32 $0x1BF5;
	[smem:$0x3FBA] =	sst s0  }
0x18: {  	s0 =	sld [smem:$0x3F9D];
	_ =	swait.ge [sflag:s4], $0x0  }
0x19: {  	s7 =	sld [smem:$0x3F9E]  }
0x1a: {  	s8 =	sadd.s32 $0xFFFFE003, lr  }
0x1b: {  	s9 =	sadd.s32 $0xFFFFFEF7, lr;
	s5 =	simm.s32 $0xFFFFFFFF;
	p2 =	slt.u32 s8, $0xFFFFF086  }
0x1c: {  	p1 =	slt.u32 s9, $0xF7A;
	s5 =	simm.s32 @!p2 $0x0  }
0x1d: {  	s5 =	simm.s32 @p1 $0x1;
	p0 =	seq.s32 s7, s2  }
0x1e: {  	s7 =	smul.u32 @!p0 $0xF7A, s2;
	p2 =	seq.s32 @!p0 s5, $0x0  }
0x1f: {  	s9 =	smul.u32 $0xF7A, s1;
	s8 =	simm.s32 @!p0 $0x1BF5;
	p2 =	por !p2, p0  }
0x20: {  	[sflag:s8] =	ssyncset.s32 @!p0 $0xFFFFF086;
	s6 =	sadd.s32 @!p0 s3, s7;
	s7 =	simm.s32 @!p0 $0x108  }
0x21: {  	s3 =	sadd.s32 s3, s9;
	s6 =	sadd.s32 @!p0 $0x88, s6;
	s7 =	simm.s32 @p2 $0x1082  }
0x22: {  	[simem:s7], [sflag:s8] =	dma.local @!p0 [hbm:s6], $0xF7A  }
0x23: {  	s9 =	sor.u32 $0xD0000000, s2;
	s6 =	simm.s32 $0x108;
	_ =	swait.ge @!p0 [sflag:s8], $0x0  }
0x24: {  	s3 =	sadd.s32 $0x88, s3;
	s6 =	simm.s32 @!p1 $0x1082;
	[sflag:s4] =	ssyncset.s32 $0xFFFFF086  }
0x25: {  	[simem:s6], [sflag:s4] =	dma.local [hbm:s3], $0xF7A  }
0x26: {  	[smem:$0x3F9E] =	sst s1;
	(tag) =	ssettag s2;
	_ =	strace s9  }
0x27: {  	s1 =	sld [smem:$0x3FAE]  }
0x28: {  	s2 =	sld [smem:$0x3FAF]  }
0x29: {  	s4 =	sld [smem:$0x3FB1]  }
0x2a: {  	p0 =	seq.s32 s5, $0x0;
	s5 =	sld [smem:$0x3FB2]  }
0x2b: {  	s6 =	sld [smem:$0x3FB3]  }
0x2c: {  	s7 =	sld [smem:$0x3FB4]  }
0x2d: {  	s3 =	simm.s32 $0x108;
	s8 =	sld [smem:$0x3FB5]  }
0x2e: {  	s3 =	simm.s32 @!p0 $0x1082;
	s9 =	sld [smem:$0x3FB6]  }
0x2f: {  	lr =	sadd.s32 s0, s3;
	s0 =	sld [smem:$0x3FAD]  }
0x30: {  	s3 =	sld [smem:$0x3FB0]  }
0x31: {  	[smem:$0x3FB9] =	sst s10  }
0x32: {  	s10 =	sld [smem:$0x3FB7];
	_ =	sdelay $0x3  }
0x33: {  	p0 =	seq.s32 s10, $0x1;
	s10 =	sld [smem:$0x3FB9];
	_ =	sdelay $0x3  }
0x34: {  	[smem:$0x3FB9] =	sst s10  }
0x35: {  	s10 =	sld [smem:$0x3FB8];
	_ =	sdelay $0x3  }
0x36: {  	p1 =	seq.s32 s10, $0x1;
	s10 =	sld [smem:$0x3FB9];
	_ =	sdelay $0x3  }
0x37: {  	[smem:$0x3FB9] =	sst s10  }
0x38: {  	s10 =	sld [smem:$0x3FBA]  }
0x39: {  	_ = 	snop;
	(pc) =	sbr.ind lr, $3  }
0x3a: {  	_ = 	snop  }
0x3b: {  	_ = 	snop  }
0x3c: {  	p2 =	seq.s32 s10, $0x1;
	s10 =	sld [smem:$0x3FB9]  }
0x3d: {  	_ =	shalt  }
0x3e: {  	_ =	shalt  }
0x3f: {  	_ =	shalt  }
0x40: {  	_ =	shalt  }
0x41: {  	_ =	shalt  }
0x42: {  	_ =	shalt  }
0x43: {  	_ =	shalt  }
0x44: {  	_ =	shalt  }
0x45: {  	_ =	shalt  }
0x46: {  	_ =	shalt  }
0x47: {  	_ =	shalt  }
0x48: {  	_ =	shalt  }
0x49: {  	_ =	shalt  }
0x4a: {  	_ =	shalt  }
0x4b: {  	_ =	shalt  }
0x4c: {  	_ =	shalt  }
0x4d: {  	_ =	shalt  }
0x4e: {  	_ =	shalt  }
0x4f: {  	_ =	shalt  }
0x50: {  	_ =	shalt  }
0x51: {  	_ =	shalt  }
0x52: {  	_ =	shalt  }
0x53: {  	_ =	shalt  }
0x54: {  	_ =	shalt  }
0x55: {  	_ =	shalt  }
0x56: {  	_ =	shalt  }
0x57: {  	_ =	shalt  }
0x58: {  	_ =	shalt  }
0x59: {  	_ =	shalt  }
0x5a: {  	_ =	shalt  }
0x5b: {  	_ =	shalt  }
0x5c: {  	_ =	shalt  }
0x5d: {  	_ =	shalt  }
0x5e: {  	_ =	shalt  }
0x5f: {  	_ =	shalt  }
0x60: {  	_ =	shalt  }
0x61: {  	_ =	shalt  }
0x62: {  	_ =	shalt  }
0x63: {  	_ =	shalt  }
0x64: {  	_ =	shalt  }
0x65: {  	_ =	shalt  }
0x66: {  	_ =	shalt  }
0x67: {  	_ =	shalt  }
0x68: {  	_ =	shalt  }
0x69: {  	_ =	shalt  }
0x6a: {  	_ =	shalt  }
0x6b: {  	_ =	shalt  }
0x6c: {  	_ =	shalt  }
0x6d: {  	_ =	shalt  }
0x6e: {  	_ =	shalt  }
0x6f: {  	_ =	shalt  }
0x70: {  	_ =	shalt  }
0x71: {  	_ =	shalt  }
0x72: {  	_ =	shalt  }
0x73: {  	_ =	shalt  }
0x74: {  	_ =	shalt  }
0x75: {  	_ =	shalt  }
0x76: {  	_ =	shalt  }
0x77: {  	_ =	shalt  }
0x78: {  	_ =	shalt  }
0x79: {  	_ =	shalt  }
0x7a: {  	_ =	shalt  }
0x7b: {  	_ =	shalt  }
0x7c: {  	_ =	shalt  }
0x7d: {  	_ =	shalt  }
0x7e: {  	_ =	shalt  }
0x7f: {  	_ =	shalt  }
0x80: {  	_ =	shalt  }
0x81: {  	_ =	shalt  }
0x82: {  	_ =	shalt  }
0x83: {  	_ =	shalt  }
0x84: {  	_ =	shalt  }
0x85: {  	_ =	shalt  }
0x86: {  	_ =	shalt  }
0x87: {  	_ =	shalt  }
.Lfunc_end0:
.L_simem_size_0:
called_computation.1_lowered:
.L_overlay_start_0:
0x88: {  	s2 =	sld [smem:$0x3FD9]  }
0x89: {  	s3 =	sld [smem:$0x3FFE];
	_ =	sdelay $0x1  }
0x8a: {  	s1 =	srdreg.scid  }
0x8b: {  	s0 =	sand.u32 $0x1, s1  }
0x8c: {  	s17 =	sshll.u32 s0, $0xA;
	s2 =	sadd.s32 s3, s2  }
0x8d: {  	s2 =	sadd.s32 s2, s17  }
0x8e: {  	[smem:$0x3FC5] =	sst s2  }
0x8f: {  	_ = 	snop  }
0x90: {  	s2 =	sld [smem:$0x3FD0];
	(tm) =	ssettm $0x1  }
0x91: {  	s18 =	sld [smem:$0x3FFB];
	_ =	sdelay $0x3  }
0x92: {  	_ =	strace s18  }
0x93: {  	s3 =	sld [smem:$0x3FFC];
	_ =	sdelay $0x3  }
0x94: {  	_ =	strace s3  }
0x95: {  	s3 =	sld [smem:$0x3FFD];
	_ =	sdelay $0x3  }
0x96: {  	_ =	strace s3  }
0x97: {  	_ =	strace $0x8FFFFFFF  }
0x98: {  	s19 =	sld [smem:$0x3FDB];
	_ =	sdelay $0x1  }
0x99: {  	s4 =	simm.s32 $_scs_section_size  }
0x9a: {  	s5 =	simm.s32 $_size__tile_overlayer_lowered;
	s6 =	simm.s32 $_tile_overlayer_lowered  }
0x9b: {  	s22 =	simm.s32 $0x1BFF;
	s21 =	sshll.u32 s6, $0x1;
	s3 =	sadd.s32 s4, s19  }
0x9c: {  	s7 =	simm.s32 $0x0;
	s20 =	sshll.u32 s5, $0x1;
	s5 =	sadd.s32 s21, s3  }
0x9d: {  	[timem:s7], [sflag:s22] =	dma.local [hbm:s5], s20  }
0x9e: {  	_ =	swait.ge [sflag:s22], s20  }
0x9f: {  	s4 =	ssub.s32 $0x0, s20;
	[sflag:s22] =	ssyncset.done $0x0  }
0xa0: {  	[sflag:s22] =	ssyncadd.s32 s4;
	_ =	sdelay $0x1  }
0xa1: {  	s23 =	simm.s32 $0x1B8B  }
0xa2: {  	_ =	swait.ge [sflag:s23], $0x1  }
0xa3: {  	[sflag:s23] =	ssyncset.done $0x0  }
0xa4: {  	s25 =	simm.s32 $0x1B8E;
	s24 =	sld [smem:$0x3FFE];
	[sflag:s23] =	ssyncadd.s32 $0xFFFFFFFF  }
0xa5: {  	s26 =	simm.s32 $execute0_lowered;
	[smem:$0x3FD2] =	sst s25  }
0xa6: {  	s5 =	sshll.u32 s26, $0x1;
	_ =	strace $0x80000049;
	[dreg:$0x1] =	wrdreg $0xFFFFFFFF  }
0xa7: {  	s28 =	simm.s32 $_size_execute0_lowered;
	s3 =	sadd.s32 s3, s5;
	[dreg:$0x0] =	wrdreg $0x0  }
0xa8: {  	s5 =	sshll.u32 s28, $0x1;
	[dreg:$0x2] =	wrdreg s3  }
0xa9: {  	[dreg:$0x3] =	wrdreg s5  }
0xaa: {  	[dreg:$0x4] =	wrdreg $0xC0  }
0xab: {  	_ =	task [dreg:s7], $0x5FFFF  }
0xac: {  	[dreg:$0x1] =	wrdreg $0xFFFFFFFF  }
0xad: {  	[dreg:$0x0] =	wrdreg $0x60  }
0xae: {  	[dreg:$0x2] =	wrdreg s24  }
0xaf: {  	[dreg:$0x3] =	wrdreg s2  }
0xb0: {  	[dreg:$0x4] =	wrdreg $0x9  }
0xb1: {  	_ =	task.clear_ibuf [dreg:s7], $0x5FFFF;
	_ =	strace $0x90000049  }
0xb2: {  	s29 =	simm.s32 $0x9;
	_ =	strace $0x8000004B  }
0xb3: {  	_ =	swait.ge [sflag:s29], $0x1  }
0xb4: {  	[sflag:s29] =	ssyncadd.s32 $0xFFFFFFFF  }
0xb5: {  	_ =	strace $0x9000004B  }
0xb6: {  	_ =	sfence  }
0xb7: {  	s30 =	sld [smem:$0x0];
	_ =	sdelay $0x2  }
0xb8: {  	s31 =	sshll.u32 s1, $0xD;
	s1 =	sshrl.u32 s1, $0x2  }
0xb9: {  	s3 =	sand.u32 $0x4000, s31;
	s1 =	sadd.s32 s1, s30  }
0xba: {  	s0 =	sor.u32 s3, s0;
	s1 =	sshll.u32 s1, $0x11  }
0xbb: {  	s0 =	sor.u32 s1, s0  }
0xbc: {  	s0 =	sadd.s32 $0x8F2B, s0  }
0xbd: {  	[sflag:s0] =	ssyncadd.remote.s32 $0x1  }
0xbe: {  	_ =	sfence.sel $0xFFFF  }
0xbf: {  	[dreg:$0x0] =	wrdreg $0xFFFFFFFF;
	(pc) =	sbr.abs _section_cstart, $3  }
0xc0: {  	[dreg:$0x1] =	wrdreg $0xFFFFFFFF  }
0xc1: {  	_ =	task.clear_ibuf [dreg:s7], $0x2FFFF;
	_ =	strace $0x9FFFFFFF  }
0xc2: {  	(tm) =	ssettm $0x7FFFFFFF  }
0xc3: {  	_ =	shalt  }
tec
execute0_lowered:
.L_overlay_start_1:
0x0: {  	(tag) =	ssettag $0x1  }
0x1: {  	s0 =	rddreg [dreg:$0x0]  }
0x2: {  	s17 =	rddreg [dreg:$0x1];
	s1 =	simm.s32 $0x0;
	s16 =	srdreg.scid  }
0x3: {  	s2 =	stileid.u32;
	s15 =	simm.s32 $0x400;
	s28 =	simm.s32 $0x3  }
0x4: {  	s29 =	simm.s32 $0x7800;
	s30 =	simm.s32 $0xD000;
	[smem:$0x7FF] =	sst s1  }
0x5: {  	s6 =	sadd.s32 $0x41000, s0;
	s1 =	sand.u32 $0x1, s16;
	s18 =	sadd.s32 $0x81000, s0  }
0x6: {  	s7 =	sadd.s32 $0x1000, s0;
	_ =	strace $0x8000004A;
	[dreg:$0x5] =	wrdreg s18  }
0x7: {  	s3 =	sshll.u32 s2, $0x11;
	s16 =	simm.s32 $0x1;
	[dreg:$0x3] =	wrdreg s6  }
0x8: {  	s4 =	sshll.u32 s1, $0x10;
	s1 =	ssub.s32 $0x2, s1;
	[dreg:$0x4] =	wrdreg s7  }
0x9: {  	s18 =	simm.s32 $0x1800;
	s3 =	sor.u32 s4, s3;
	s19 =	sshrl.u32 s1, $0x1  }
0xa: {  	s4 =	simm.s32 $0x0;
	s0 =	sadd.s32 s3, s0;
	s25 =	sor.u32 $0x800, s3  }
0xb: {  	s5 =	sshrl.u32 s3, $0x3;
	s26 =	sor.u32 $0xC00, s3;
	[dreg:$0xa] =	wrdreg s25  }
0xc: {  	s1 =	ssub.s32 s1, s19;
	s20 =	sadd.s32 s6, s5;
	[dreg:$0xc] =	wrdreg s26  }
0xd: {  	s3 =	simm.s32 $0x11000;
	s22 =	sadd.s32 s7, s5;
	[dreg:$0x6] =	wrdreg s20  }
0xe: {  	s21 =	sor.u32 $0x80, s5;
	s0 =	sadd.s32 $0x6AD200, s0;
	[dreg:$0x7] =	wrdreg s22  }
0xf: {  	s31 =	smax.u32 s1, $0x1;
	s26 =	simm.s32 $0xB000;
	[dreg:$0xb] =	wrdreg s0  }
0x10: {  	s23 =	sadd.s32 s6, s21;
	s24 =	sadd.s32 s7, s21;
	[dreg:$0xd] =	wrdreg s31  }
0x11: {  	v0 =	vlaneseq.u32;
	s21 =	simm.s32 $0x2;
	s22 =	simm.s32 $0x3800;
	[dreg:$0x8] =	wrdreg s23  }
0x12: {  	v0 =	vmul.u32 $0x8, v0;
	s0 =	simm.s32 $0xF000;
	[dreg:$0x9] =	wrdreg s24;
	s24 =	simm.s32 $0x5800  }
.LBB2_1:
0x13: {  	[dreg:$0xe] =	wrdreg s4  }
0x14: {  	s1 =	simm.s32 $0x0;
	s2 =	rddreg [dreg:$0x6]  }
0x15: {  	[tilespmem:s1], [sflag:$0x1] =	stream.linear.gather [hbm4b:s2+s1], $0x400, $0x38;
	[tilespmem:$0x13000] =	vst v63  }
0x16: {  	s31 =	rddreg [dreg:$0x7]  }
0x17: {  	[tilespmem:s15], [sflag:$0x1] =	stream.linear.gather [hbm4b:s31+s1], $0x400, $0x38;
	[tilespmem:$0x13000] =	vst v63  }
0x18: {  	_ =	swait.ge [sflag:s16], $0x400  }
0x19: {  	[sflag:s16] =	ssyncset.done $0x0  }
0x1a: {  	[sflag:s16] =	ssyncadd.s32 $0xFFFFFC00  }
0x1b: {  	_ =	swait.ge [sflag:s16], $0x400  }
0x1c: {  	[sflag:s16] =	ssyncset.done $0x0  }
0x1d: {  	s4 =	simm.s32 $0x0;
	[sflag:s16] =	ssyncadd.s32 $0xFFFFFC00  }
0x1e: {  	v1 =	vld [tilespmem:s4+$0x400];
	_ =	sdelay $0x1  }
0x1f: {  	v2 =	vld [tilespmem:s4+$0x0];
	_ =	sdelay $0x2  }
0x20: {  	s1 =	simm.s32 $0x10;
	v1 =	vmax.f32 v1, $0.0e+00  }
0x21: {  	v3 =	vld [tilespmem:s1+$0x400];
	v1 =	vmin.f32 v1, $1.000000000e+00  }
0x22: {  	v4 =	vld [tilespmem:s1+$0x0];
	v2 =	vmax.f32 v2, $0.0e+00;
	v5 =	vmul.f32 $2.543000000e+03, v1  }
0x23: {  	v2 =	vmin.f32 v2, $1.000000000e+00  }
0x24: {  	v6 =	vmul.f32 $2.543000000e+03, v2;
	v1 =	vtrunc.f32 v5  }
0x25: {  	v7 =	vcvt.f32.s32 v1  }
0x26: {  	v2 =	vtrunc.f32 v6;
	v1 =	vmax.f32 v3, $0.0e+00  }
0x27: {  	s5 =	simm.s32 $0x20;
	v9 =	vcvt.f32.s32 v2;
	v2 =	vmax.f32 v4, $0.0e+00;
	v3 =	vcvt.s32.f32 v7  }
0x28: {  	v4 =	vld [tilespmem:s5+$0x400];
	v1 =	vmin.f32 v1, $1.000000000e+00;
	v2 =	vmin.f32 v2, $1.000000000e+00  }
0x29: {  	v1 =	vmul.f32 $2.543000000e+03, v1;
	v8 =	vcvt.s32.f32 v9;
	v10 =	vsub.f32 v5, v3;
	v5 =	vld [tilespmem:s5+$0x0]  }
0x2a: {  	v2 =	vmul.f32 $2.543000000e+03, v2;
	v7 =	vmul.u32 $0x9F0, v7  }
0x2b: {  	v3 =	vtrunc.f32 v1;
	v6 =	vsub.f32 v6, v8  }
0x2c: {  	s7 =	simm.s32 $0xC0;
	v8 =	vtrunc.f32 v2;
	v7 =	vadd.s32 v9, v7;
	v3 =	vcvt.f32.s32 v3;
	[tilespmem:s4+$0x1400] =	vst v10  }
.LBB2_2:
0x2d: {  	s6 =	sshra.s32 s7, $0x2;
	p0 =	sne.s32 s7, $0xFC0;
	s7 =	sadd.s32 $0x40, s7;
	v9 =	vmax.f32 v4, $0.0e+00;
	v10 =	vcvt.f32.s32 v8;
	[tilespmem:s4+$0x1000] =	vst v6  }
.Ltmp0:
0x2e: {  	v4 =	vld [tilespmem:s6+$0x400];
	v6 =	vmax.f32 v5, $0.0e+00;
	v8 =	vmin.f32 v9, $1.000000000e+00;
	v9 =	vcvt.s32.f32 v3;
	[tilespmem:s4+$0x800] =	vst v7;
	s4 =	smov.u32 s1;
	s1 =	smov.u32 s5;
	(pc) =	sbr.rel @p0 .LBB2_2-.Ltmp0, $4  }
0x2f: {  	s5 =	smov.u32 s6;
	v5 =	vld [tilespmem:s6+$0x0];
	v6 =	vmin.f32 v6, $1.000000000e+00;
	v7 =	vmul.f32 $2.543000000e+03, v8;
	v8 =	vcvt.s32.f32 v10  }
0x30: {  	v12 =	vmul.u32 $0x9F0, v3;
	v11 =	vmul.f32 $2.543000000e+03, v6;
	v9 =	vsub.f32 v1, v9  }
0x31: {  	v3 =	vtrunc.f32 v7;
	v6 =	vsub.f32 v2, v8;
	v1 =	vmov v7  }
0x32: {  	v7 =	vadd.s32 v10, v12;
	v8 =	vtrunc.f32 v11;
	v3 =	vcvt.f32.s32 v3;
	[tilespmem:s4+$0x1400] =	vst v9;
	v2 =	vmovc v11  }
0x33: {  	v4 =	vmax.f32 v4, $0.0e+00  }
0x34: {  	v5 =	vmax.f32 v5, $0.0e+00;
	v4 =	vmin.f32 v4, $1.000000000e+00  }
0x35: {  	v8 =	vcvt.f32.s32 v8;
	v5 =	vmin.f32 v5, $1.000000000e+00;
	v4 =	vmul.f32 $2.543000000e+03, v4  }
0x36: {  	v9 =	vcvt.s32.f32 v3;
	v5 =	vmul.f32 $2.543000000e+03, v5  }
0x37: {  	v10 =	vcvt.s32.f32 v8;
	v11 =	vtrunc.f32 v4  }
0x38: {  	v12 =	vtrunc.f32 v5;
	v11 =	vcvt.f32.s32 v11  }
0x39: {  	[tilespmem:s4+$0x1000] =	vst v6;
	v1 =	vsub.f32 v1, v9;
	v62 =	vcvt.f32.s32 v12  }
0x3a: {  	[tilespmem:s4+$0x800] =	vst v7;
	v3 =	vmul.u32 $0x9F0, v3;
	v2 =	vsub.f32 v2, v10;
	v63 =	vcvt.s32.f32 v11  }
0x3b: {  	[tilespmem:s1+$0x1400] =	vst v1;
	v1 =	vcvt.s32.f32 v62  }
0x3c: {  	v3 =	vadd.s32 v8, v3;
	[tilespmem:s1+$0x1000] =	vst v2;
	v2 =	vsub.f32 v4, v63  }
0x3d: {  	[tilespmem:s1+$0x800] =	vst v3;
	v3 =	vmul.u32 $0x9F0, v11;
	v1 =	vsub.f32 v5, v1  }
0x3e: {  	[tilespmem:s5+$0x1400] =	vst v2  }
0x3f: {  	v2 =	vadd.s32 v62, v3;
	[tilespmem:s5+$0x1000] =	vst v1  }
0x40: {  	s14 =	rddreg [dreg:$0x5];
	s2 =	simm.s32 $0x800;
	[tilespmem:s5+$0x800] =	vst v2  }
0x41: {  	[tilespmem:s18], [sflag:$0x2] =	stream.indirect.gather [hbm4b:s14+s15], $0x8, s2, s15, $0xb8;
	[tilespmem:$0x13000] =	vst v63  }
0x42: {  	s19 =	simm.s32 $0x0;
	s20 =	rddreg [dreg:$0x8];
	s23 =	simm.s32 $0x9800  }
0x43: {  	[tilespmem:s23], [sflag:$0x1] =	stream.linear.gather [hbm4b:s20+s19], $0x400, $0x38;
	[tilespmem:$0x13000] =	vst v63  }
0x44: {  	s25 =	rddreg [dreg:$0x9];
	s31 =	simm.s32 $0x9C00;
	s10 =	simm.s32 $0x0  }
0x45: {  	[tilespmem:s31], [sflag:$0x1] =	stream.linear.gather [hbm4b:s25+s19], $0x400, $0x38;
	[tilespmem:$0x13000] =	vst v63  }
.LBB2_4:
0x46: {  	s1 =	simm.s32 $0x0  }
0x47: {  	v1 =	vmov s1  }
0x48: {  	v1 =	vshll.u32 v1, $0x3  }
0x49: {  	v6 =	vor.u32 v0, v1  }
0x4a: {  	v1 =	vor.u32 $0x4, v6  }
0x4b: {  	_ =	swait.ge [sflag:s21], $0x2000;
	v2 =	vor.u32 $0x3, v6  }
0x4c: {  	[sflag:s21] =	ssyncset.done $0x0;
	v3 =	vor.u32 $0x6, v6  }
0x4d: {  	[sflag:s21] =	ssyncadd.s32 $0xFFFFE000;
	v4 =	vor.u32 $0x2, v6  }
0x4e: {  	v5 =	vor.u32 $0x1, v6;
	v16 =	vld.idx.msk [tilespmem:v6+s18+$0x0], $0xffff  }
0x4f: {  	s9 =	simm.s32 $0x10;
	v7 =	vor.u32 $0x5, v6;
	v9 =	vld.idx.msk [tilespmem:v1+s18+$0x0], $0xffff  }
0x50: {  	v17 =	vor.u32 $0x7, v6;
	v13 =	vld.idx.msk [tilespmem:v2+s18+$0x0], $0xffff;
	v1 =	vmov s9  }
0x51: {  	s25 =	simm.s32 $0x1000;
	s12 =	simm.s32 $0x1400;
	v14 =	vld.idx.msk [tilespmem:v3+s18+$0x0], $0xffff;
	v1 =	vshll.u32 v1, $0x3  }
0x52: {  	s31 =	simm.s32 $0x800;
	s13 =	simm.s32 $0xC00;
	s11 =	simm.s32 $0x20;
	v15 =	vld.idx.msk [tilespmem:v4+s18+$0x0], $0xffff;
	v1 =	vor.u32 v0, v1  }
0x53: {  	s20 =	simm.s32 $0x810;
	s19 =	simm.s32 $0xC10;
	s5 =	simm.s32 $0x30;
	v10 =	vmov s11;
	v11 =	vld.idx.msk [tilespmem:v5+s18+$0x0], $0xffff;
	v2 =	vor.u32 $0x2, v1  }
0x54: {  	s23 =	simm.s32 $0x1010;
	s14 =	simm.s32 $0x1410;
	s7 =	simm.s32 $0x820;
	v12 =	vld.idx.msk [tilespmem:v7+s18+$0x0], $0xffff;
	v3 =	vor.u32 $0x4, v1;
	v4 =	vor.u32 $0x1, v1;
	v7 =	vor.u32 $0x3, v1  }
0x55: {  	s8 =	simm.s32 $0xC20;
	s11 =	simm.s32 $0x1010;
	v17 =	vld.idx.msk [tilespmem:v17+s18+$0x0], $0xffff;
	s9 =	simm.s32 $0x1410;
	v5 =	vor.u32 $0x5, v1;
	v6 =	vor.u32 $0x7, v1;
	v8 =	vor.u32 $0x6, v1  }
.LBB2_5:
0x56: {  	s23 =	sadd.s32 $0x10, s23  }
0x57: {  	v10 =	vshll.u32 v10, $0x3;
	s14 =	sadd.s32 $0x10, s14;
	v18 =	vld [tilespmem:s25+$0x0];
	s4 =	smov.u32 s5;
	s1 =	sadd.s32 $0x10, s5  }
0x58: {  	p0 =	sne.s32 s5, $0x3F0;
	v10 =	vor.u32 v0, v10  }
0x59: {  	v13 =	vsub.f32 v13, v11;
	v19 =	vor.u32 $0x2, v10;
	v20 =	vor.u32 $0x4, v10  }
0x5a: {  	v14 =	vsub.f32 v14, v9;
	v21 =	vor.u32 $0x1, v10;
	v22 =	vor.u32 $0x3, v10  }
0x5b: {  	v23 =	vor.u32 $0x5, v10;
	v24 =	vor.u32 $0x7, v10;
	v15 =	vsub.f32 v15, v16  }
0x5c: {  	v25 =	vor.u32 $0x6, v10;
	v17 =	vsub.f32 v17, v12;
	v14 =	vmul.f32 v14, v18  }
0x5d: {  	v15 =	vmul.f32 v15, v18;
	v13 =	vmul.f32 v13, v18  }
0x5e: {  	v26 =	vld [tilespmem:s12+$0x0];
	v9 =	vadd.f32 v14, v9;
	v14 =	vmul.f32 v17, v18  }
0x5f: {  	v15 =	vadd.f32 v15, v16  }
0x60: {  	v11 =	vadd.f32 v13, v11;
	v12 =	vadd.f32 v14, v12  }
0x61: {  	v9 =	vsub.f32 v9, v15  }
0x62: {  	v12 =	vsub.f32 v12, v11  }
0x63: {  	v9 =	vmul.f32 v9, v26  }
0x64: {  	v12 =	vmul.f32 v12, v26  }
0x65: {  	v9 =	vadd.f32 v9, v15  }
0x66: {  	v11 =	vadd.f32 v12, v11  }
0x67: {  	v9 =	vmax.f32 v9, $0.0e+00  }
0x68: {  	v9 =	vmin.f32 v9, $1.000000000e+00;
	v11 =	vmax.f32 v11, $0.0e+00  }
0x69: {  	v9 =	vmul.f32 $6.350000000e+02, v9;
	v11 =	vmin.f32 v11, $1.000000000e+00  }
0x6a: {  	v11 =	vmul.f32 $6.350000000e+02, v11  }
0x6b: {  	v12 =	vtrunc.f32 v9  }
0x6c: {  	v12 =	vcvt.f32.s32 v12;
	v13 =	vtrunc.f32 v11  }
0x6d: {  	v13 =	vcvt.f32.s32 v13  }
0x6e: {  	v14 =	vcvt.s32.f32 v12  }
0x6f: {  	v15 =	vcvt.s32.f32 v13;
	v16 =	vadd.s32 $0x1, v13;
	v13 =	vmul.u32 $0x27C, v13  }
0x70: {  	v9 =	vsub.f32 v9, v14;
	vm0 =	vlt.s32 v16, $0x27B  }
0x71: {  	v11 =	vsub.f32 v11, v15;
	v14 =	vnsel vm0, $0x27B, v16;
	v13 =	vadd.s32 v12, v13  }
0x72: {  	[tilespmem:s25+$0x0] =	vst v9;
	v9 =	vmul.u32 $0x27C, v14;
	s25 =	smov.u32 s11;
	s11 =	smov.u32 s23  }
0x73: {  	[tilespmem:s12+$0x0] =	vst v11;
	s12 =	smov.u32 s9;
	s9 =	smov.u32 s14  }
0x74: {  	[tilespmem:s31+$0x0] =	vst v13;
	v9 =	vadd.s32 v12, v9;
	s31 =	smov.u32 s20;
	s20 =	smov.u32 s7  }
0x75: {  	[tilespmem:s13+$0x0] =	vst v9;
	s13 =	smov.u32 s19;
	s19 =	smov.u32 s8  }
0x76: {  	v9 =	vld.idx.msk [tilespmem:v3+s18+$0x0], $0xffff;
	v3 =	vmov v20  }
0x77: {  	v13 =	vld.idx.msk [tilespmem:v7+s18+$0x0], $0xffff;
	v7 =	vmov v22  }
0x78: {  	v14 =	vld.idx.msk [tilespmem:v8+s18+$0x0], $0xffff;
	v8 =	vmov v25  }
.Ltmp1:
0x79: {  	v15 =	vld.idx.msk [tilespmem:v2+s18+$0x0], $0xffff;
	v2 =	vmov v19;
	(pc) =	sbr.rel @p0 .LBB2_5-.Ltmp1, $4  }
0x7a: {  	v11 =	vld.idx.msk [tilespmem:v4+s18+$0x0], $0xffff;
	v4 =	vmov v21  }
0x7b: {  	v12 =	vld.idx.msk [tilespmem:v5+s18+$0x0], $0xffff;
	v5 =	vmov v23  }
0x7c: {  	v16 =	vld.idx.msk [tilespmem:v1+s18+$0x0], $0xffff;
	v1 =	vmov v10  }
0x7d: {  	s5 =	smov.u32 s1;
	s7 =	sadd.s32 $0x10, s7;
	s8 =	sadd.s32 $0x10, s8;
	v10 =	vmov s4;
	v17 =	vld.idx.msk [tilespmem:v6+s18+$0x0], $0xffff;
	v6 =	vmov v24  }
0x7e: {  	v18 =	vld [tilespmem:s25+$0x0];
	_ =	sdelay $0x2  }
0x7f: {  	v14 =	vsub.f32 v14, v9;
	v15 =	vsub.f32 v15, v16  }
0x80: {  	v13 =	vsub.f32 v13, v11;
	v17 =	vsub.f32 v17, v12  }
0x81: {  	v14 =	vmul.f32 v14, v18;
	v15 =	vmul.f32 v15, v18  }
0x82: {  	v19 =	vld [tilespmem:s12+$0x0];
	v13 =	vmul.f32 v13, v18;
	v17 =	vmul.f32 v17, v18  }
0x83: {  	v9 =	vadd.f32 v14, v9;
	v56 =	vadd.f32 v15, v16  }
0x84: {  	v11 =	vadd.f32 v13, v11;
	v57 =	vadd.f32 v17, v12  }
0x85: {  	v9 =	vsub.f32 v9, v56  }
0x86: {  	v12 =	vsub.f32 v57, v11  }
0x87: {  	v9 =	vmul.f32 v9, v19  }
0x88: {  	v12 =	vmul.f32 v12, v19  }
0x89: {  	v9 =	vadd.f32 v9, v56  }
0x8a: {  	v11 =	vadd.f32 v12, v11  }
0x8b: {  	v9 =	vmax.f32 v9, $0.0e+00  }
0x8c: {  	v9 =	vmin.f32 v9, $1.000000000e+00;
	v11 =	vmax.f32 v11, $0.0e+00  }
0x8d: {  	v9 =	vmul.f32 $6.350000000e+02, v9;
	v11 =	vmin.f32 v11, $1.000000000e+00  }
0x8e: {  	v11 =	vmul.f32 $6.350000000e+02, v11  }
0x8f: {  	v58 =	vtrunc.f32 v9  }
0x90: {  	v12 =	vcvt.f32.s32 v58;
	v59 =	vtrunc.f32 v11  }
0x91: {  	v13 =	vcvt.f32.s32 v59  }
0x92: {  	v60 =	vcvt.s32.f32 v12  }
0x93: {  	v61 =	vcvt.s32.f32 v13;
	v62 =	vadd.s32 $0x1, v13  }
0x94: {  	v9 =	vsub.f32 v9, v60;
	vm0 =	vlt.s32 v62, $0x27B  }
0x95: {  	v13 =	vmul.u32 $0x27C, v13;
	v11 =	vsub.f32 v11, v61;
	v63 =	vnsel vm0, $0x27B, v62  }
0x96: {  	[tilespmem:s25+$0x0] =	vst v9;
	v9 =	vmul.u32 $0x27C, v63  }
0x97: {  	v13 =	vadd.s32 v12, v13;
	[tilespmem:s12+$0x0] =	vst v11  }
0x98: {  	[tilespmem:s31+$0x0] =	vst v13;
	v9 =	vadd.s32 v12, v9  }
0x99: {  	[tilespmem:s13+$0x0] =	vst v9  }
0x9a: {  	v3 =	vld.idx.msk [tilespmem:v3+s18+$0x0], $0xffff  }
0x9b: {  	v7 =	vld.idx.msk [tilespmem:v7+s18+$0x0], $0xffff  }
0x9c: {  	v8 =	vld.idx.msk [tilespmem:v8+s18+$0x0], $0xffff  }
0x9d: {  	v2 =	vld.idx.msk [tilespmem:v2+s18+$0x0], $0xffff  }
0x9e: {  	v4 =	vld.idx.msk [tilespmem:v4+s18+$0x0], $0xffff  }
0x9f: {  	v5 =	vld.idx.msk [tilespmem:v5+s18+$0x0], $0xffff  }
0xa0: {  	v1 =	vld.idx.msk [tilespmem:v1+s18+$0x0], $0xffff  }
0xa1: {  	v6 =	vld.idx.msk [tilespmem:v6+s18+$0x0], $0xffff  }
0xa2: {  	v9 =	vld [tilespmem:s11+$0x0];
	_ =	sdelay $0x2  }
0xa3: {  	v8 =	vsub.f32 v8, v3;
	v2 =	vsub.f32 v2, v1  }
0xa4: {  	v7 =	vsub.f32 v7, v4;
	v6 =	vsub.f32 v6, v5  }
0xa5: {  	v8 =	vmul.f32 v8, v9;
	v2 =	vmul.f32 v2, v9  }
0xa6: {  	v11 =	vld [tilespmem:s9+$0x0];
	v7 =	vmul.f32 v7, v9;
	v6 =	vmul.f32 v6, v9  }
0xa7: {  	v3 =	vadd.f32 v8, v3;
	v1 =	vadd.f32 v2, v1  }
0xa8: {  	v2 =	vadd.f32 v7, v4;
	v4 =	vadd.f32 v6, v5  }
0xa9: {  	v3 =	vsub.f32 v3, v1  }
0xaa: {  	v4 =	vsub.f32 v4, v2  }
0xab: {  	v3 =	vmul.f32 v3, v11  }
0xac: {  	v4 =	vmul.f32 v4, v11  }
0xad: {  	v1 =	vadd.f32 v3, v1  }
0xae: {  	v2 =	vadd.f32 v4, v2  }
0xaf: {  	v1 =	vmax.f32 v1, $0.0e+00  }
0xb0: {  	v2 =	vmax.f32 v2, $0.0e+00;
	v1 =	vmin.f32 v1, $1.000000000e+00  }
0xb1: {  	v2 =	vmin.f32 v2, $1.000000000e+00;
	v1 =	vmul.f32 $6.350000000e+02, v1  }
0xb2: {  	v2 =	vmul.f32 $6.350000000e+02, v2  }
0xb3: {  	v3 =	vtrunc.f32 v1  }
0xb4: {  	v4 =	vtrunc.f32 v2;
	v3 =	vcvt.f32.s32 v3  }
0xb5: {  	v4 =	vcvt.f32.s32 v4  }
0xb6: {  	v5 =	vshll.u32 v10, $0x3;
	v6 =	vcvt.s32.f32 v3  }
0xb7: {  	v5 =	vor.u32 v0, v5;
	v7 =	vcvt.s32.f32 v4;
	v8 =	vadd.s32 $0x1, v4  }
0xb8: {  	v9 =	vor.u32 $0x4, v5;
	vm14 =	vlt.s32 v8, $0x27B;
	v1 =	vsub.f32 v1, v6  }
0xb9: {  	v4 =	vmul.u32 $0x27C, v4;
	v2 =	vsub.f32 v2, v7;
	v6 =	vnsel vm14, $0x27B, v8  }
0xba: {  	v7 =	vor.u32 $0x3, v5;
	[tilespmem:s11+$0x0] =	vst v1;
	v1 =	vmul.u32 $0x27C, v6  }
0xbb: {  	v4 =	vadd.s32 v3, v4;
	[tilespmem:s9+$0x0] =	vst v2  }
0xbc: {  	v8 =	vor.u32 $0x7, v5;
	[tilespmem:s20+$0x0] =	vst v4;
	v1 =	vadd.s32 v3, v1  }
0xbd: {  	v6 =	vor.u32 $0x6, v5;
	[tilespmem:s19+$0x0] =	vst v1  }
0xbe: {  	v2 =	vor.u32 $0x2, v5;
	v4 =	vld.idx.msk [tilespmem:v9+s18+$0x0], $0xffff  }
0xbf: {  	v3 =	vor.u32 $0x1, v5;
	v7 =	vld.idx.msk [tilespmem:v7+s18+$0x0], $0xffff  }
0xc0: {  	v1 =	vor.u32 $0x5, v5;
	v5 =	vld.idx.msk [tilespmem:v5+s18+$0x0], $0xffff  }
0xc1: {  	v8 =	vld.idx.msk [tilespmem:v8+s18+$0x0], $0xffff  }
0xc2: {  	v6 =	vld.idx.msk [tilespmem:v6+s18+$0x0], $0xffff  }
0xc3: {  	v2 =	vld.idx.msk [tilespmem:v2+s18+$0x0], $0xffff  }
0xc4: {  	v3 =	vld.idx.msk [tilespmem:v3+s18+$0x0], $0xffff  }
0xc5: {  	s1 =	sadd.s32 $0x10, s23;
	v1 =	vld.idx.msk [tilespmem:v1+s18+$0x0], $0xffff  }
0xc6: {  	v9 =	vld [tilespmem:s1+$0x0];
	_ =	sdelay $0x2  }
0xc7: {  	v6 =	vsub.f32 v6, v4;
	v2 =	vsub.f32 v2, v5  }
0xc8: {  	v7 =	vsub.f32 v7, v3;
	v8 =	vsub.f32 v8, v1  }
0xc9: {  	s4 =	sadd.s32 $0x10, s14;
	v6 =	vmul.f32 v6, v9;
	v2 =	vmul.f32 v2, v9  }
0xca: {  	v10 =	vld [tilespmem:s4+$0x0];
	v7 =	vmul.f32 v7, v9;
	v8 =	vmul.f32 v8, v9  }
0xcb: {  	v4 =	vadd.f32 v6, v4;
	v2 =	vadd.f32 v2, v5  }
0xcc: {  	v3 =	vadd.f32 v7, v3;
	v1 =	vadd.f32 v8, v1  }
0xcd: {  	v4 =	vsub.f32 v4, v2  }
0xce: {  	v1 =	vsub.f32 v1, v3  }
0xcf: {  	v4 =	vmul.f32 v4, v10  }
0xd0: {  	v1 =	vmul.f32 v1, v10  }
0xd1: {  	v2 =	vadd.f32 v4, v2  }
0xd2: {  	v1 =	vadd.f32 v1, v3  }
0xd3: {  	v2 =	vmax.f32 v2, $0.0e+00  }
0xd4: {  	v2 =	vmin.f32 v2, $1.000000000e+00;
	v1 =	vmax.f32 v1, $0.0e+00  }
0xd5: {  	v2 =	vmul.f32 $6.350000000e+02, v2;
	v1 =	vmin.f32 v1, $1.000000000e+00  }
0xd6: {  	v1 =	vmul.f32 $6.350000000e+02, v1  }
0xd7: {  	v3 =	vtrunc.f32 v2  }
0xd8: {  	v3 =	vcvt.f32.s32 v3;
	v4 =	vtrunc.f32 v1  }
0xd9: {  	v4 =	vcvt.f32.s32 v4  }
0xda: {  	v5 =	vcvt.s32.f32 v3  }
0xdb: {  	v6 =	vcvt.s32.f32 v4;
	v7 =	vadd.s32 $0x1, v4  }
0xdc: {  	v2 =	vsub.f32 v2, v5;
	vm15 =	vlt.s32 v7, $0x27B  }
0xdd: {  	v4 =	vmul.u32 $0x27C, v4;
	v1 =	vsub.f32 v1, v6;
	v5 =	vnsel vm15, $0x27B, v7  }
0xde: {  	[tilespmem:s1+$0x0] =	vst v2;
	v2 =	vmul.u32 $0x27C, v5  }
0xdf: {  	v4 =	vadd.s32 v3, v4;
	[tilespmem:s4+$0x0] =	vst v1  }
0xe0: {  	[tilespmem:s7+$0x0] =	vst v4;
	v1 =	vadd.s32 v3, v2  }
0xe1: {  	s25 =	simm.s32 $0x800;
	[tilespmem:s8+$0x0] =	vst v1  }
0xe2: {  	[tilespmem:s22], [sflag:$0x3] =	stream.indirect.gather [hbm4b:s17+s15], $0x8, s25, s15, $0xb8;
	[tilespmem:$0x13000] =	vst v63  }
0xe3: {  	s31 =	simm.s32 $0xC00  }
0xe4: {  	[tilespmem:s24], [sflag:$0x3] =	stream.indirect.gather [hbm4b:s17+s15], $0x8, s31, s15, $0xb8;
	[tilespmem:$0x13000] =	vst v63  }
0xe5: {  	_ =	swait.ge [sflag:s16], $0x400  }
0xe6: {  	[sflag:s16] =	ssyncset.done $0x0  }
0xe7: {  	[sflag:s16] =	ssyncadd.s32 $0xFFFFFC00  }
0xe8: {  	_ =	swait.ge [sflag:s16], $0x400  }
0xe9: {  	[sflag:s16] =	ssyncset.done $0x0  }
0xea: {  	s4 =	simm.s32 $0x0;
	[sflag:s16] =	ssyncadd.s32 $0xFFFFFC00  }
0xeb: {  	v1 =	vld [tilespmem:s4+$0x9C00];
	_ =	sdelay $0x1  }
0xec: {  	v2 =	vld [tilespmem:s4+$0x9800];
	_ =	sdelay $0x2  }
0xed: {  	s1 =	simm.s32 $0x10;
	v1 =	vmax.f32 v1, $0.0e+00  }
0xee: {  	v3 =	vld [tilespmem:s1+$0x9C00];
	v1 =	vmin.f32 v1, $1.000000000e+00  }
0xef: {  	v4 =	vld [tilespmem:s1+$0x9800];
	v2 =	vmax.f32 v2, $0.0e+00;
	v5 =	vmul.f32 $2.543000000e+03, v1  }
0xf0: {  	v2 =	vmin.f32 v2, $1.000000000e+00  }
0xf1: {  	v6 =	vmul.f32 $2.543000000e+03, v2;
	v1 =	vtrunc.f32 v5  }
0xf2: {  	v7 =	vcvt.f32.s32 v1  }
0xf3: {  	v2 =	vtrunc.f32 v6;
	v1 =	vmax.f32 v3, $0.0e+00  }
0xf4: {  	s5 =	simm.s32 $0x20;
	v9 =	vcvt.f32.s32 v2;
	v2 =	vmax.f32 v4, $0.0e+00;
	v3 =	vcvt.s32.f32 v7  }
0xf5: {  	v4 =	vld [tilespmem:s5+$0x9C00];
	v1 =	vmin.f32 v1, $1.000000000e+00;
	v2 =	vmin.f32 v2, $1.000000000e+00  }
0xf6: {  	v1 =	vmul.f32 $2.543000000e+03, v1;
	v8 =	vcvt.s32.f32 v9;
	v10 =	vsub.f32 v5, v3;
	v5 =	vld [tilespmem:s5+$0x9800]  }
0xf7: {  	v2 =	vmul.f32 $2.543000000e+03, v2;
	v7 =	vmul.u32 $0x9F0, v7  }
0xf8: {  	v3 =	vtrunc.f32 v1;
	v6 =	vsub.f32 v6, v8  }
0xf9: {  	s7 =	simm.s32 $0xC0;
	v8 =	vtrunc.f32 v2;
	v7 =	vadd.s32 v9, v7;
	v3 =	vcvt.f32.s32 v3;
	[tilespmem:s4+$0xAC00] =	vst v10  }
.LBB2_7:
0xfa: {  	s6 =	sshra.s32 s7, $0x2;
	p0 =	sne.s32 s7, $0xFC0;
	s7 =	sadd.s32 $0x40, s7;
	v9 =	vmax.f32 v4, $0.0e+00;
	v10 =	vcvt.f32.s32 v8;
	[tilespmem:s4+$0xA800] =	vst v6  }
.Ltmp2:
0xfb: {  	v4 =	vld [tilespmem:s6+$0x9C00];
	v6 =	vmax.f32 v5, $0.0e+00;
	v8 =	vmin.f32 v9, $1.000000000e+00;
	v9 =	vcvt.s32.f32 v3;
	[tilespmem:s4+$0xA000] =	vst v7;
	s4 =	smov.u32 s1;
	s1 =	smov.u32 s5;
	(pc) =	sbr.rel @p0 .LBB2_7-.Ltmp2, $4  }
0xfc: {  	s5 =	smov.u32 s6;
	v5 =	vld [tilespmem:s6+$0x9800];
	v6 =	vmin.f32 v6, $1.000000000e+00;
	v7 =	vmul.f32 $2.543000000e+03, v8;
	v8 =	vcvt.s32.f32 v10  }
0xfd: {  	v12 =	vmul.u32 $0x9F0, v3;
	v11 =	vmul.f32 $2.543000000e+03, v6;
	v9 =	vsub.f32 v1, v9  }
0xfe: {  	v3 =	vtrunc.f32 v7;
	v6 =	vsub.f32 v2, v8;
	v1 =	vmov v7  }
0xff: {  	v7 =	vadd.s32 v10, v12;
	v8 =	vtrunc.f32 v11;
	v3 =	vcvt.f32.s32 v3;
	[tilespmem:s4+$0xAC00] =	vst v9;
	v2 =	vmovc v11  }
0x100: {  	v4 =	vmax.f32 v4, $0.0e+00  }
0x101: {  	v5 =	vmax.f32 v5, $0.0e+00;
	v4 =	vmin.f32 v4, $1.000000000e+00  }
0x102: {  	v8 =	vcvt.f32.s32 v8;
	v5 =	vmin.f32 v5, $1.000000000e+00;
	v4 =	vmul.f32 $2.543000000e+03, v4  }
0x103: {  	v9 =	vcvt.s32.f32 v3;
	v5 =	vmul.f32 $2.543000000e+03, v5  }
0x104: {  	v10 =	vcvt.s32.f32 v8;
	v11 =	vtrunc.f32 v4  }
0x105: {  	v12 =	vtrunc.f32 v5;
	v11 =	vcvt.f32.s32 v11  }
0x106: {  	[tilespmem:s4+$0xA800] =	vst v6;
	v1 =	vsub.f32 v1, v9;
	v6 =	vcvt.f32.s32 v12  }
0x107: {  	[tilespmem:s4+$0xA000] =	vst v7;
	v3 =	vmul.u32 $0x9F0, v3;
	v2 =	vsub.f32 v2, v10;
	v7 =	vcvt.s32.f32 v11  }
0x108: {  	[tilespmem:s1+$0xAC00] =	vst v1;
	v1 =	vcvt.s32.f32 v6  }
0x109: {  	s14 =	sshll.u32 s10, $0x1;
	v3 =	vadd.s32 v8, v3;
	[tilespmem:s1+$0xA800] =	vst v2;
	v2 =	vsub.f32 v4, v7  }
0x10a: {  	s2 =	smov.u32 s17;
	s17 =	smin.u32 s14, $0x3D;
	[tilespmem:s1+$0xA000] =	vst v3;
	v3 =	vmul.u32 $0x9F0, v11;
	v1 =	vsub.f32 v5, v1  }
0x10b: {  	s19 =	rddreg [dreg:$0xa];
	s1 =	sshll.u32 s17, $0xA;
	[tilespmem:s5+$0xAC00] =	vst v2  }
0x10c: {  	s12 =	rddreg [dreg:$0x5];
	s1 =	sadd.s32 s1, s19;
	v2 =	vadd.s32 v6, v3;
	[tilespmem:s5+$0xA800] =	vst v1  }
0x10d: {  	s13 =	simm.s32 $0xA000;
	s20 =	rddreg [dreg:$0x3];
	s1 =	sshrl.u32 s1, $0x3;
	[tilespmem:s5+$0xA000] =	vst v2  }
0x10e: {  	[tilespmem:s26], [sflag:$0x2] =	stream.indirect.gather [hbm4b:s12+s15], $0x8, s13, s15, $0xb8;
	[tilespmem:$0x13000] =	vst v63  }
0x10f: {  	s23 =	simm.s32 $0x0;
	s25 =	rddreg [dreg:$0x4];
	s4 =	sadd.s32 s20, s1  }
0x110: {  	[tilespmem:s23], [sflag:$0x1] =	stream.linear.gather [hbm4b:s4+s23], $0x400, $0x38;
	[tilespmem:$0x13000] =	vst v63  }
0x111: {  	s1 =	sadd.s32 s25, s1  }
0x112: {  	[tilespmem:s15], [sflag:$0x1] =	stream.linear.gather [hbm4b:s1+s23], $0x400, $0x38;
	[tilespmem:$0x13000] =	vst v63  }
0x113: {  	_ =	swait.ge [sflag:s28], $0x2000  }
0x114: {  	s31 =	simm.s32 $0x0;
	[sflag:s28] =	ssyncset.done $0x0  }
0x115: {  	v1 =	vmov s31;
	[sflag:s28] =	ssyncadd.s32 $0xFFFFE000  }
0x116: {  	v1 =	vshll.u32 v1, $0x3;
	_ =	swait.ge [sflag:s28], $0x2000  }
0x117: {  	p0 =	seq.s32 s10, $0x0;
	v2 =	vor.u32 v0, v1;
	[sflag:s28] =	ssyncset.done $0x0  }
0x118: {  	s1 =	simm.s32 @!p0 $0x4;
	[sflag:s28] =	ssyncadd.s32 $0xFFFFE000  }
0x119: {  	v1 =	vor.u32 $0x3, v2;
	_ =	swait.ge @!p0 [sflag:s1], $0x2000  }
0x11a: {  	[sflag:s1] =	ssyncset.done @!p0 $0x0  }
0x11b: {  	[sflag:s1] =	ssyncadd.s32 @!p0 $0xFFFFE000  }
0x11c: {  	v3 =	vld.idx.msk [tilespmem:v2+s22+$0x0], $0xffff  }
0x11d: {  	v4 =	vld.idx.msk [tilespmem:v2+s24+$0x0], $0xffff  }
0x11e: {  	v5 =	vld.idx.msk [tilespmem:v1+s22+$0x0], $0xffff  }
0x11f: {  	v1 =	vld.idx.msk [tilespmem:v1+s24+$0x0], $0xffff  }
0x120: {  	s1 =	simm.s32 $0x1000  }
0x121: {  	v6 =	vld [tilespmem:s1+$0x0];
	_ =	sdelay $0x2  }
0x122: {  	v5 =	vsub.f32 v5, v3;
	v1 =	vsub.f32 v1, v4;
	_ =	sdelay $0x1  }
0x123: {  	s7 =	simm.s32 $0x1400;
	v5 =	vmul.f32 v5, v6;
	v7 =	vmul.f32 v1, v6  }
0x124: {  	v1 =	vld [tilespmem:s7+$0x0]  }
0x125: {  	v3 =	vadd.f32 v5, v3;
	v4 =	vadd.f32 v7, v4;
	_ =	sdelay $0x1  }
0x126: {  	v4 =	vsub.f32 v4, v3;
	_ =	sdelay $0x1  }
0x127: {  	v5 =	vor.u32 $0x4, v2;
	v4 =	vmul.f32 v4, v1  }
0x128: {  	v7 =	vor.u32 $0x1, v2  }
0x129: {  	v3 =	vadd.f32 v4, v3;
	_ =	sdelay $0x1  }
0x12a: {  	[tilespmem:v2+s29+$0x0] =	vst.idx.msk $0xffff, v3  }
0x12b: {  	v3 =	vld.idx.msk [tilespmem:v5+s24+$0x0], $0xffff  }
0x12c: {  	v4 =	vld.idx.msk [tilespmem:v7+s22+$0x0], $0xffff  }
0x12d: {  	v63 =	vld.idx.msk [tilespmem:v7+s24+$0x0], $0xffff  }
0x12e: {  	v5 =	vld.idx.msk [tilespmem:v5+s22+$0x0], $0xffff;
	_ =	sdelay $0x4  }
0x12f: {  	v3 =	vsub.f32 v3, v63;
	v5 =	vsub.f32 v5, v4;
	_ =	sdelay $0x1  }
0x130: {  	v3 =	vmul.f32 v3, v6;
	v5 =	vmul.f32 v5, v6;
	_ =	sdelay $0x1  }
0x131: {  	v3 =	vadd.f32 v3, v63;
	v4 =	vadd.f32 v5, v4;
	_ =	sdelay $0x1  }
0x132: {  	v3 =	vsub.f32 v3, v4;
	_ =	sdelay $0x1  }
0x133: {  	v5 =	vor.u32 $0x5, v2;
	v3 =	vmul.f32 v3, v1  }
0x134: {  	v2 =	vor.u32 $0x2, v2  }
0x135: {  	v3 =	vadd.f32 v3, v4;
	_ =	sdelay $0x1  }
0x136: {  	[tilespmem:v7+s29+$0x0] =	vst.idx.msk $0xffff, v3  }
0x137: {  	v4 =	vld.idx.msk [tilespmem:v5+s24+$0x0], $0xffff  }
0x138: {  	v7 =	vld.idx.msk [tilespmem:v2+s24+$0x0], $0xffff  }
0x139: {  	v3 =	vld.idx.msk [tilespmem:v2+s22+$0x0], $0xffff  }
0x13a: {  	v5 =	vld.idx.msk [tilespmem:v5+s22+$0x0], $0xffff;
	_ =	sdelay $0x3  }
0x13b: {  	v4 =	vsub.f32 v4, v7  }
0x13c: {  	v5 =	vsub.f32 v5, v3  }
0x13d: {  	v4 =	vmul.f32 v4, v6  }
0x13e: {  	v5 =	vmul.f32 v5, v6  }
0x13f: {  	s8 =	simm.s32 $0x10;
	v4 =	vadd.f32 v4, v7  }
.LBB2_9:
0x140: {  	p1 =	sne.s32 s8, $0x3F0;
	v3 =	vadd.f32 v5, v3;
	s1 =	sadd.s32 $0x10, s1;
	s7 =	sadd.s32 $0x10, s7  }
0x141: {  	s4 =	smov.u32 s8;
	s8 =	sadd.s32 $0x10, s8  }
0x142: {  	v5 =	vmov s4;
	v4 =	vsub.f32 v4, v3  }
0x143: {  	v5 =	vshll.u32 v5, $0x3  }
0x144: {  	v5 =	vor.u32 v0, v5;
	v1 =	vmul.f32 v4, v1  }
0x145: {  	v4 =	vor.u32 $0x3, v5  }
0x146: {  	v1 =	vadd.f32 v1, v3;
	_ =	sdelay $0x1  }
0x147: {  	[tilespmem:v2+s29+$0x0] =	vst.idx.msk $0xffff, v1  }
0x148: {  	v2 =	vld.idx.msk [tilespmem:v5+s22+$0x0], $0xffff  }
0x149: {  	v3 =	vld.idx.msk [tilespmem:v5+s24+$0x0], $0xffff  }
0x14a: {  	v1 =	vld.idx.msk [tilespmem:v4+s22+$0x0], $0xffff  }
0x14b: {  	v4 =	vld.idx.msk [tilespmem:v4+s24+$0x0], $0xffff;
	_ =	sdelay $0x2  }
0x14c: {  	v6 =	vld [tilespmem:s1+$0x0];
	_ =	sdelay $0x1  }
0x14d: {  	v1 =	vsub.f32 v1, v2  }
0x14e: {  	v4 =	vsub.f32 v4, v3;
	_ =	sdelay $0x1  }
0x14f: {  	v7 =	vmul.f32 v1, v6;
	v4 =	vmul.f32 v4, v6  }
0x150: {  	v1 =	vld [tilespmem:s7+$0x0]  }
0x151: {  	v2 =	vadd.f32 v7, v2;
	v3 =	vadd.f32 v4, v3;
	_ =	sdelay $0x1  }
0x152: {  	v3 =	vsub.f32 v3, v2;
	_ =	sdelay $0x1  }
0x153: {  	v4 =	vor.u32 $0x4, v5;
	v3 =	vmul.f32 v3, v1  }
0x154: {  	v7 =	vor.u32 $0x1, v5  }
0x155: {  	v2 =	vadd.f32 v3, v2;
	_ =	sdelay $0x1  }
0x156: {  	[tilespmem:v5+s29+$0x0] =	vst.idx.msk $0xffff, v2  }
0x157: {  	v2 =	vld.idx.msk [tilespmem:v4+s24+$0x0], $0xffff  }
0x158: {  	v3 =	vld.idx.msk [tilespmem:v7+s22+$0x0], $0xffff  }
0x159: {  	v8 =	vld.idx.msk [tilespmem:v7+s24+$0x0], $0xffff  }
0x15a: {  	v4 =	vld.idx.msk [tilespmem:v4+s22+$0x0], $0xffff;
	_ =	sdelay $0x4  }
0x15b: {  	v2 =	vsub.f32 v2, v8  }
0x15c: {  	v4 =	vsub.f32 v4, v3  }
0x15d: {  	v2 =	vmul.f32 v2, v6  }
0x15e: {  	v4 =	vmul.f32 v4, v6  }
0x15f: {  	v2 =	vadd.f32 v2, v8  }
0x160: {  	v3 =	vadd.f32 v4, v3;
	_ =	sdelay $0x1  }
0x161: {  	v2 =	vsub.f32 v2, v3;
	_ =	sdelay $0x1  }
0x162: {  	v4 =	vmul.f32 v2, v1;
	v2 =	vor.u32 $0x2, v5  }
0x163: {  	v5 =	vor.u32 $0x5, v5  }
0x164: {  	v3 =	vadd.f32 v4, v3;
	_ =	sdelay $0x1  }
0x165: {  	[tilespmem:v7+s29+$0x0] =	vst.idx.msk $0xffff, v3  }
0x166: {  	v3 =	vld.idx.msk [tilespmem:v2+s22+$0x0], $0xffff  }
0x167: {  	v4 =	vld.idx.msk [tilespmem:v5+s24+$0x0], $0xffff  }
0x168: {  	v7 =	vld.idx.msk [tilespmem:v2+s24+$0x0], $0xffff  }
0x169: {  	v5 =	vld.idx.msk [tilespmem:v5+s22+$0x0], $0xffff;
	_ =	sdelay $0x4  }
.Ltmp3:
0x16a: {  	v4 =	vsub.f32 v4, v7;
	(pc) =	sbr.rel @p1 .LBB2_9-.Ltmp3, $4  }
0x16b: {  	v5 =	vsub.f32 v5, v3  }
0x16c: {  	v4 =	vmul.f32 v4, v6  }
0x16d: {  	v5 =	vmul.f32 v5, v6  }
0x16e: {  	v4 =	vadd.f32 v4, v7  }
0x16f: {  	v3 =	vadd.f32 v5, v3;
	_ =	sdelay $0x1  }
0x170: {  	v4 =	vsub.f32 v4, v3;
	_ =	sdelay $0x1  }
0x171: {  	s1 =	simm.s32 $0x0;
	v1 =	vmul.f32 v4, v1  }
0x172: {  	v4 =	vmov s1  }
0x173: {  	v1 =	vadd.f32 v1, v3;
	v3 =	vshll.u32 v4, $0x3  }
0x174: {  	s4 =	sshll.u32 s10, $0xB;
	s5 =	rddreg [dreg:$0xb];
	v6 =	vor.u32 v0, v3  }
0x175: {  	s7 =	sadd.s32 s4, s5;
	[tilespmem:v2+s29+$0x0] =	vst.idx.msk $0xffff, v1;
	v1 =	vor.u32 $0x4, v6  }
0x176: {  	v2 =	vor.u32 $0x3, v6;
	[hbm4b:s7+s1] =	stream.linear.scatter [tilespmem:s29], [sflag:$0x4], $0x2000, $0x38;
	[tilespmem:$0x13000] =	vst v63  }
0x177: {  	v3 =	vor.u32 $0x6, v6;
	_ =	swait.ge [sflag:s21], $0x2000  }
0x178: {  	v4 =	vor.u32 $0x2, v6;
	[sflag:s21] =	ssyncset.done $0x0  }
0x179: {  	v5 =	vor.u32 $0x1, v6;
	[sflag:s21] =	ssyncadd.s32 $0xFFFFE000  }
0x17a: {  	v7 =	vor.u32 $0x5, v6;
	v9 =	vld.idx.msk [tilespmem:v1+s26+$0x0], $0xffff  }
0x17b: {  	s20 =	simm.s32 $0x10;
	v13 =	vld.idx.msk [tilespmem:v2+s26+$0x0], $0xffff  }
0x17c: {  	v17 =	vor.u32 $0x7, v6;
	v1 =	vmov s20;
	v14 =	vld.idx.msk [tilespmem:v3+s26+$0x0], $0xffff  }
0x17d: {  	s17 =	simm.s32 $0xA800;
	s13 =	simm.s32 $0xAC00;
	v15 =	vld.idx.msk [tilespmem:v4+s26+$0x0], $0xffff;
	v1 =	vshll.u32 v1, $0x3  }
0x17e: {  	s25 =	simm.s32 $0xA400;
	s23 =	simm.s32 $0x20;
	s9 =	simm.s32 $0xA010;
	v11 =	vld.idx.msk [tilespmem:v5+s26+$0x0], $0xffff;
	v1 =	vor.u32 v0, v1  }
0x17f: {  	s19 =	simm.s32 $0xA810;
	s31 =	simm.s32 $0xAC10;
	s8 =	simm.s32 $0xA020;
	v10 =	vmov s23;
	v12 =	vld.idx.msk [tilespmem:v7+s26+$0x0], $0xffff;
	v2 =	vor.u32 $0x2, v1  }
0x180: {  	s12 =	simm.s32 $0xA810;
	s11 =	simm.s32 $0xAC10;
	s4 =	simm.s32 $0x30;
	v16 =	vld.idx.msk [tilespmem:v6+s26+$0x0], $0xffff;
	v3 =	vor.u32 $0x4, v1;
	v4 =	vor.u32 $0x1, v1;
	v7 =	vor.u32 $0x3, v1  }
0x181: {  	s23 =	simm.s32 $0xA420;
	s1 =	simm.s32 $0xA000;
	s20 =	simm.s32 $0xA410;
	v17 =	vld.idx.msk [tilespmem:v17+s26+$0x0], $0xffff;
	v5 =	vor.u32 $0x5, v1;
	v6 =	vor.u32 $0x7, v1;
	v8 =	vor.u32 $0x6, v1  }
.LBB2_11:
0x182: {  	s19 =	sadd.s32 $0x10, s19  }
0x183: {  	v10 =	vshll.u32 v10, $0x3;
	s31 =	sadd.s32 $0x10, s31;
	v18 =	vld [tilespmem:s17+$0x0];
	s5 =	smov.u32 s4;
	s6 =	sadd.s32 $0x10, s4  }
0x184: {  	p1 =	sne.s32 s4, $0x3F0;
	v10 =	vor.u32 v0, v10  }
0x185: {  	v13 =	vsub.f32 v13, v11;
	v19 =	vor.u32 $0x2, v10;
	v20 =	vor.u32 $0x4, v10  }
0x186: {  	v14 =	vsub.f32 v14, v9;
	v21 =	vor.u32 $0x1, v10;
	v22 =	vor.u32 $0x3, v10  }
0x187: {  	v23 =	vor.u32 $0x5, v10;
	v24 =	vor.u32 $0x7, v10;
	v15 =	vsub.f32 v15, v16  }
0x188: {  	v25 =	vor.u32 $0x6, v10;
	v17 =	vsub.f32 v17, v12;
	v14 =	vmul.f32 v14, v18  }
0x189: {  	v15 =	vmul.f32 v15, v18;
	v13 =	vmul.f32 v13, v18  }
0x18a: {  	v26 =	vld [tilespmem:s13+$0x0];
	v9 =	vadd.f32 v14, v9;
	v14 =	vmul.f32 v17, v18  }
0x18b: {  	v15 =	vadd.f32 v15, v16  }
0x18c: {  	v11 =	vadd.f32 v13, v11;
	v12 =	vadd.f32 v14, v12  }
0x18d: {  	v9 =	vsub.f32 v9, v15  }
0x18e: {  	v12 =	vsub.f32 v12, v11  }
0x18f: {  	v9 =	vmul.f32 v9, v26  }
0x190: {  	v12 =	vmul.f32 v12, v26  }
0x191: {  	v9 =	vadd.f32 v9, v15  }
0x192: {  	v11 =	vadd.f32 v12, v11  }
0x193: {  	v9 =	vmax.f32 v9, $0.0e+00  }
0x194: {  	v9 =	vmin.f32 v9, $1.000000000e+00;
	v11 =	vmax.f32 v11, $0.0e+00  }
0x195: {  	v9 =	vmul.f32 $6.350000000e+02, v9;
	v11 =	vmin.f32 v11, $1.000000000e+00  }
0x196: {  	v11 =	vmul.f32 $6.350000000e+02, v11  }
0x197: {  	v12 =	vtrunc.f32 v9  }
0x198: {  	v12 =	vcvt.f32.s32 v12;
	v13 =	vtrunc.f32 v11  }
0x199: {  	v13 =	vcvt.f32.s32 v13  }
0x19a: {  	v14 =	vcvt.s32.f32 v12  }
0x19b: {  	v15 =	vcvt.s32.f32 v13;
	v16 =	vadd.s32 $0x1, v13;
	v13 =	vmul.u32 $0x27C, v13  }
0x19c: {  	v9 =	vsub.f32 v9, v14;
	vm0 =	vlt.s32 v16, $0x27B  }
0x19d: {  	v11 =	vsub.f32 v11, v15;
	v14 =	vnsel vm0, $0x27B, v16;
	v13 =	vadd.s32 v12, v13  }
0x19e: {  	[tilespmem:s17+$0x0] =	vst v9;
	v9 =	vmul.u32 $0x27C, v14;
	s17 =	smov.u32 s12;
	s12 =	smov.u32 s19  }
0x19f: {  	[tilespmem:s13+$0x0] =	vst v11;
	s13 =	smov.u32 s11;
	s11 =	smov.u32 s31  }
0x1a0: {  	[tilespmem:s1+$0x0] =	vst v13;
	v9 =	vadd.s32 v12, v9;
	s1 =	smov.u32 s9;
	s9 =	smov.u32 s8  }
0x1a1: {  	[tilespmem:s25+$0x0] =	vst v9;
	s25 =	smov.u32 s20;
	s20 =	smov.u32 s23  }
0x1a2: {  	v9 =	vld.idx.msk [tilespmem:v3+s26+$0x0], $0xffff;
	v3 =	vmov v20  }
0x1a3: {  	v13 =	vld.idx.msk [tilespmem:v7+s26+$0x0], $0xffff;
	v7 =	vmov v22  }
0x1a4: {  	v14 =	vld.idx.msk [tilespmem:v8+s26+$0x0], $0xffff;
	v8 =	vmov v25  }
.Ltmp4:
0x1a5: {  	v15 =	vld.idx.msk [tilespmem:v2+s26+$0x0], $0xffff;
	v2 =	vmov v19;
	(pc) =	sbr.rel @p1 .LBB2_11-.Ltmp4, $4  }
0x1a6: {  	v11 =	vld.idx.msk [tilespmem:v4+s26+$0x0], $0xffff;
	v4 =	vmov v21  }
0x1a7: {  	v12 =	vld.idx.msk [tilespmem:v5+s26+$0x0], $0xffff;
	v5 =	vmov v23  }
0x1a8: {  	v16 =	vld.idx.msk [tilespmem:v1+s26+$0x0], $0xffff;
	v1 =	vmov v10  }
0x1a9: {  	s4 =	smov.u32 s6;
	s8 =	sadd.s32 $0x10, s8;
	s23 =	sadd.s32 $0x10, s23;
	v10 =	vmov s5;
	v17 =	vld.idx.msk [tilespmem:v6+s26+$0x0], $0xffff;
	v6 =	vmov v24  }
0x1aa: {  	v18 =	vld [tilespmem:s17+$0x0];
	_ =	sdelay $0x2  }
0x1ab: {  	v14 =	vsub.f32 v14, v9;
	v15 =	vsub.f32 v15, v16  }
0x1ac: {  	v13 =	vsub.f32 v13, v11;
	v17 =	vsub.f32 v17, v12  }
0x1ad: {  	v14 =	vmul.f32 v14, v18;
	v15 =	vmul.f32 v15, v18  }
0x1ae: {  	v19 =	vld [tilespmem:s13+$0x0];
	v13 =	vmul.f32 v13, v18;
	v17 =	vmul.f32 v17, v18  }
0x1af: {  	v9 =	vadd.f32 v14, v9;
	v56 =	vadd.f32 v15, v16  }
0x1b0: {  	v11 =	vadd.f32 v13, v11;
	v57 =	vadd.f32 v17, v12  }
0x1b1: {  	v9 =	vsub.f32 v9, v56  }
0x1b2: {  	v12 =	vsub.f32 v57, v11  }
0x1b3: {  	v9 =	vmul.f32 v9, v19  }
0x1b4: {  	v12 =	vmul.f32 v12, v19  }
0x1b5: {  	v9 =	vadd.f32 v9, v56  }
0x1b6: {  	v11 =	vadd.f32 v12, v11  }
0x1b7: {  	v9 =	vmax.f32 v9, $0.0e+00  }
0x1b8: {  	v9 =	vmin.f32 v9, $1.000000000e+00;
	v11 =	vmax.f32 v11, $0.0e+00  }
0x1b9: {  	v9 =	vmul.f32 $6.350000000e+02, v9;
	v11 =	vmin.f32 v11, $1.000000000e+00  }
0x1ba: {  	v11 =	vmul.f32 $6.350000000e+02, v11  }
0x1bb: {  	v58 =	vtrunc.f32 v9  }
0x1bc: {  	v12 =	vcvt.f32.s32 v58;
	v59 =	vtrunc.f32 v11  }
0x1bd: {  	v13 =	vcvt.f32.s32 v59  }
0x1be: {  	v60 =	vcvt.s32.f32 v12  }
0x1bf: {  	v61 =	vcvt.s32.f32 v13;
	v62 =	vadd.s32 $0x1, v13  }
0x1c0: {  	v9 =	vsub.f32 v9, v60;
	vm0 =	vlt.s32 v62, $0x27B  }
0x1c1: {  	v13 =	vmul.u32 $0x27C, v13;
	v11 =	vsub.f32 v11, v61;
	v63 =	vnsel vm0, $0x27B, v62  }
0x1c2: {  	[tilespmem:s17+$0x0] =	vst v9;
	v9 =	vmul.u32 $0x27C, v63  }
0x1c3: {  	v13 =	vadd.s32 v12, v13;
	[tilespmem:s13+$0x0] =	vst v11  }
0x1c4: {  	[tilespmem:s1+$0x0] =	vst v13;
	v9 =	vadd.s32 v12, v9  }
0x1c5: {  	[tilespmem:s25+$0x0] =	vst v9  }
0x1c6: {  	v3 =	vld.idx.msk [tilespmem:v3+s26+$0x0], $0xffff  }
0x1c7: {  	v7 =	vld.idx.msk [tilespmem:v7+s26+$0x0], $0xffff  }
0x1c8: {  	v8 =	vld.idx.msk [tilespmem:v8+s26+$0x0], $0xffff  }
0x1c9: {  	v2 =	vld.idx.msk [tilespmem:v2+s26+$0x0], $0xffff  }
0x1ca: {  	v4 =	vld.idx.msk [tilespmem:v4+s26+$0x0], $0xffff  }
0x1cb: {  	v5 =	vld.idx.msk [tilespmem:v5+s26+$0x0], $0xffff  }
0x1cc: {  	v1 =	vld.idx.msk [tilespmem:v1+s26+$0x0], $0xffff  }
0x1cd: {  	v6 =	vld.idx.msk [tilespmem:v6+s26+$0x0], $0xffff  }
0x1ce: {  	v9 =	vld [tilespmem:s12+$0x0];
	_ =	sdelay $0x2  }
0x1cf: {  	v8 =	vsub.f32 v8, v3;
	v2 =	vsub.f32 v2, v1  }
0x1d0: {  	v7 =	vsub.f32 v7, v4;
	v6 =	vsub.f32 v6, v5  }
0x1d1: {  	v8 =	vmul.f32 v8, v9;
	v2 =	vmul.f32 v2, v9  }
0x1d2: {  	v11 =	vld [tilespmem:s11+$0x0];
	v7 =	vmul.f32 v7, v9;
	v6 =	vmul.f32 v6, v9  }
0x1d3: {  	v3 =	vadd.f32 v8, v3;
	v1 =	vadd.f32 v2, v1  }
0x1d4: {  	v2 =	vadd.f32 v7, v4;
	v4 =	vadd.f32 v6, v5  }
0x1d5: {  	v3 =	vsub.f32 v3, v1  }
0x1d6: {  	v4 =	vsub.f32 v4, v2  }
0x1d7: {  	v3 =	vmul.f32 v3, v11  }
0x1d8: {  	v4 =	vmul.f32 v4, v11  }
0x1d9: {  	v1 =	vadd.f32 v3, v1  }
0x1da: {  	v2 =	vadd.f32 v4, v2  }
0x1db: {  	v1 =	vmax.f32 v1, $0.0e+00  }
0x1dc: {  	v2 =	vmax.f32 v2, $0.0e+00;
	v1 =	vmin.f32 v1, $1.000000000e+00  }
0x1dd: {  	v2 =	vmin.f32 v2, $1.000000000e+00;
	v1 =	vmul.f32 $6.350000000e+02, v1  }
0x1de: {  	v2 =	vmul.f32 $6.350000000e+02, v2  }
0x1df: {  	v3 =	vtrunc.f32 v1  }
0x1e0: {  	v4 =	vtrunc.f32 v2;
	v3 =	vcvt.f32.s32 v3  }
0x1e1: {  	v4 =	vcvt.f32.s32 v4  }
0x1e2: {  	v5 =	vshll.u32 v10, $0x3;
	v6 =	vcvt.s32.f32 v3  }
0x1e3: {  	v5 =	vor.u32 v0, v5;
	v7 =	vcvt.s32.f32 v4;
	v8 =	vadd.s32 $0x1, v4  }
0x1e4: {  	v9 =	vor.u32 $0x4, v5;
	vm14 =	vlt.s32 v8, $0x27B;
	v1 =	vsub.f32 v1, v6  }
0x1e5: {  	v4 =	vmul.u32 $0x27C, v4;
	v2 =	vsub.f32 v2, v7;
	v6 =	vnsel vm14, $0x27B, v8  }
0x1e6: {  	v7 =	vor.u32 $0x3, v5;
	[tilespmem:s12+$0x0] =	vst v1;
	v1 =	vmul.u32 $0x27C, v6  }
0x1e7: {  	v4 =	vadd.s32 v3, v4;
	[tilespmem:s11+$0x0] =	vst v2  }
0x1e8: {  	v8 =	vor.u32 $0x7, v5;
	[tilespmem:s9+$0x0] =	vst v4;
	v1 =	vadd.s32 v3, v1  }
0x1e9: {  	v6 =	vor.u32 $0x6, v5;
	[tilespmem:s20+$0x0] =	vst v1  }
0x1ea: {  	v2 =	vor.u32 $0x2, v5;
	v4 =	vld.idx.msk [tilespmem:v9+s26+$0x0], $0xffff  }
0x1eb: {  	v3 =	vor.u32 $0x1, v5;
	v7 =	vld.idx.msk [tilespmem:v7+s26+$0x0], $0xffff  }
0x1ec: {  	v1 =	vor.u32 $0x5, v5;
	v5 =	vld.idx.msk [tilespmem:v5+s26+$0x0], $0xffff  }
0x1ed: {  	v8 =	vld.idx.msk [tilespmem:v8+s26+$0x0], $0xffff  }
0x1ee: {  	v6 =	vld.idx.msk [tilespmem:v6+s26+$0x0], $0xffff  }
0x1ef: {  	v2 =	vld.idx.msk [tilespmem:v2+s26+$0x0], $0xffff  }
0x1f0: {  	v3 =	vld.idx.msk [tilespmem:v3+s26+$0x0], $0xffff  }
0x1f1: {  	s20 =	sadd.s32 $0x10, s19;
	v1 =	vld.idx.msk [tilespmem:v1+s26+$0x0], $0xffff  }
0x1f2: {  	v9 =	vld [tilespmem:s20+$0x0];
	_ =	sdelay $0x2  }
0x1f3: {  	v6 =	vsub.f32 v6, v4;
	v2 =	vsub.f32 v2, v5  }
0x1f4: {  	v7 =	vsub.f32 v7, v3;
	v8 =	vsub.f32 v8, v1  }
0x1f5: {  	s4 =	sadd.s32 $0x10, s31;
	v6 =	vmul.f32 v6, v9;
	v2 =	vmul.f32 v2, v9  }
0x1f6: {  	v10 =	vld [tilespmem:s4+$0x0];
	v7 =	vmul.f32 v7, v9;
	v8 =	vmul.f32 v8, v9  }
0x1f7: {  	v4 =	vadd.f32 v6, v4;
	v2 =	vadd.f32 v2, v5  }
0x1f8: {  	v3 =	vadd.f32 v7, v3;
	v1 =	vadd.f32 v8, v1  }
0x1f9: {  	v4 =	vsub.f32 v4, v2  }
0x1fa: {  	v1 =	vsub.f32 v1, v3  }
0x1fb: {  	v4 =	vmul.f32 v4, v10  }
0x1fc: {  	v1 =	vmul.f32 v1, v10  }
0x1fd: {  	v2 =	vadd.f32 v4, v2  }
0x1fe: {  	v1 =	vadd.f32 v1, v3  }
0x1ff: {  	v2 =	vmax.f32 v2, $0.0e+00  }
0x200: {  	v2 =	vmin.f32 v2, $1.000000000e+00;
	v1 =	vmax.f32 v1, $0.0e+00  }
0x201: {  	v2 =	vmul.f32 $6.350000000e+02, v2;
	v1 =	vmin.f32 v1, $1.000000000e+00  }
0x202: {  	v1 =	vmul.f32 $6.350000000e+02, v1  }
0x203: {  	v3 =	vtrunc.f32 v2  }
0x204: {  	v3 =	vcvt.f32.s32 v3;
	v4 =	vtrunc.f32 v1  }
0x205: {  	v4 =	vcvt.f32.s32 v4  }
0x206: {  	v5 =	vcvt.s32.f32 v3  }
0x207: {  	v6 =	vcvt.s32.f32 v4;
	v7 =	vadd.s32 $0x1, v4  }
0x208: {  	v2 =	vsub.f32 v2, v5;
	vm15 =	vlt.s32 v7, $0x27B  }
0x209: {  	v4 =	vmul.u32 $0x27C, v4;
	v1 =	vsub.f32 v1, v6;
	v5 =	vnsel vm15, $0x27B, v7  }
0x20a: {  	[tilespmem:s20+$0x0] =	vst v2;
	v2 =	vmul.u32 $0x27C, v5  }
0x20b: {  	v4 =	vadd.s32 v3, v4;
	[tilespmem:s4+$0x0] =	vst v1  }
0x20c: {  	[tilespmem:s8+$0x0] =	vst v4;
	v1 =	vadd.s32 v3, v2  }
0x20d: {  	s25 =	simm.s32 $0xA000;
	[tilespmem:s23+$0x0] =	vst v1  }
0x20e: {  	[tilespmem:s30], [sflag:$0x3] =	stream.indirect.gather [hbm4b:s2+s15], $0x8, s25, s15, $0xb8;
	[tilespmem:$0x13000] =	vst v63  }
0x20f: {  	s31 =	simm.s32 $0xA400  }
0x210: {  	[tilespmem:s0], [sflag:$0x3] =	stream.indirect.gather [hbm4b:s2+s15], $0x8, s31, s15, $0xb8;
	[tilespmem:$0x13000] =	vst v63  }
0x211: {  	_ =	swait.ge [sflag:s16], $0x400  }
0x212: {  	[sflag:s16] =	ssyncset.done $0x0  }
0x213: {  	[sflag:s16] =	ssyncadd.s32 $0xFFFFFC00  }
0x214: {  	_ =	swait.ge [sflag:s16], $0x400  }
0x215: {  	[sflag:s16] =	ssyncset.done $0x0  }
0x216: {  	s4 =	simm.s32 $0x0;
	[sflag:s16] =	ssyncadd.s32 $0xFFFFFC00  }
0x217: {  	v1 =	vld [tilespmem:s4+$0x400];
	_ =	sdelay $0x1  }
0x218: {  	v2 =	vld [tilespmem:s4+$0x0];
	_ =	sdelay $0x2  }
0x219: {  	s1 =	simm.s32 $0x10;
	v1 =	vmax.f32 v1, $0.0e+00  }
0x21a: {  	v3 =	vld [tilespmem:s1+$0x400];
	v1 =	vmin.f32 v1, $1.000000000e+00  }
0x21b: {  	v4 =	vld [tilespmem:s1+$0x0];
	v2 =	vmax.f32 v2, $0.0e+00;
	v5 =	vmul.f32 $2.543000000e+03, v1  }
0x21c: {  	v2 =	vmin.f32 v2, $1.000000000e+00  }
0x21d: {  	v6 =	vmul.f32 $2.543000000e+03, v2;
	v1 =	vtrunc.f32 v5  }
0x21e: {  	v7 =	vcvt.f32.s32 v1  }
0x21f: {  	v2 =	vtrunc.f32 v6;
	v1 =	vmax.f32 v3, $0.0e+00  }
0x220: {  	s5 =	simm.s32 $0x20;
	v9 =	vcvt.f32.s32 v2;
	v2 =	vmax.f32 v4, $0.0e+00;
	v3 =	vcvt.s32.f32 v7  }
0x221: {  	v4 =	vld [tilespmem:s5+$0x400];
	v1 =	vmin.f32 v1, $1.000000000e+00;
	v2 =	vmin.f32 v2, $1.000000000e+00  }
0x222: {  	v1 =	vmul.f32 $2.543000000e+03, v1;
	v8 =	vcvt.s32.f32 v9;
	v10 =	vsub.f32 v5, v3;
	v5 =	vld [tilespmem:s5+$0x0]  }
0x223: {  	v2 =	vmul.f32 $2.543000000e+03, v2;
	v7 =	vmul.u32 $0x9F0, v7  }
0x224: {  	v3 =	vtrunc.f32 v1;
	v6 =	vsub.f32 v6, v8  }
0x225: {  	s17 =	smov.u32 s2;
	s8 =	simm.s32 $0xC0;
	v8 =	vtrunc.f32 v2;
	v7 =	vadd.s32 v9, v7;
	v3 =	vcvt.f32.s32 v3;
	[tilespmem:s4+$0x1400] =	vst v10  }
.LBB2_13:
0x226: {  	s6 =	sshra.s32 s8, $0x2;
	p1 =	sne.s32 s8, $0xFC0;
	s8 =	sadd.s32 $0x40, s8;
	v9 =	vmax.f32 v4, $0.0e+00;
	v10 =	vcvt.f32.s32 v8;
	[tilespmem:s4+$0x1000] =	vst v6  }
.Ltmp5:
0x227: {  	v4 =	vld [tilespmem:s6+$0x400];
	v6 =	vmax.f32 v5, $0.0e+00;
	v8 =	vmin.f32 v9, $1.000000000e+00;
	v9 =	vcvt.s32.f32 v3;
	[tilespmem:s4+$0x800] =	vst v7;
	s4 =	smov.u32 s1;
	s1 =	smov.u32 s5;
	(pc) =	sbr.rel @p1 .LBB2_13-.Ltmp5, $4  }
0x228: {  	s5 =	smov.u32 s6;
	v5 =	vld [tilespmem:s6+$0x0];
	v6 =	vmin.f32 v6, $1.000000000e+00;
	v7 =	vmul.f32 $2.543000000e+03, v8;
	v8 =	vcvt.s32.f32 v10  }
0x229: {  	v12 =	vmul.u32 $0x9F0, v3;
	v11 =	vmul.f32 $2.543000000e+03, v6;
	v9 =	vsub.f32 v1, v9  }
0x22a: {  	v3 =	vtrunc.f32 v7;
	v6 =	vsub.f32 v2, v8;
	v1 =	vmov v7  }
0x22b: {  	v7 =	vadd.s32 v10, v12;
	v8 =	vtrunc.f32 v11;
	v3 =	vcvt.f32.s32 v3;
	[tilespmem:s4+$0x1400] =	vst v9;
	v2 =	vmovc v11  }
0x22c: {  	v4 =	vmax.f32 v4, $0.0e+00  }
0x22d: {  	v5 =	vmax.f32 v5, $0.0e+00;
	v4 =	vmin.f32 v4, $1.000000000e+00  }
0x22e: {  	v8 =	vcvt.f32.s32 v8;
	v5 =	vmin.f32 v5, $1.000000000e+00;
	v4 =	vmul.f32 $2.543000000e+03, v4  }
0x22f: {  	v9 =	vcvt.s32.f32 v3;
	v5 =	vmul.f32 $2.543000000e+03, v5  }
0x230: {  	v10 =	vcvt.s32.f32 v8;
	v11 =	vtrunc.f32 v4  }
0x231: {  	v12 =	vtrunc.f32 v5;
	v11 =	vcvt.f32.s32 v11  }
0x232: {  	[tilespmem:s4+$0x1000] =	vst v6;
	v1 =	vsub.f32 v1, v9;
	v6 =	vcvt.f32.s32 v12  }
0x233: {  	[tilespmem:s4+$0x800] =	vst v7;
	v3 =	vmul.u32 $0x9F0, v3;
	v2 =	vsub.f32 v2, v10;
	v7 =	vcvt.s32.f32 v11  }
0x234: {  	[tilespmem:s1+$0x1400] =	vst v1;
	v1 =	vcvt.s32.f32 v6  }
0x235: {  	v3 =	vadd.s32 v8, v3;
	[tilespmem:s1+$0x1000] =	vst v2;
	v2 =	vsub.f32 v4, v7  }
0x236: {  	s11 =	smin.u32 s14, $0x3C;
	[tilespmem:s1+$0x800] =	vst v3;
	v3 =	vmul.u32 $0x9F0, v11;
	v1 =	vsub.f32 v5, v1  }
0x237: {  	s12 =	rddreg [dreg:$0xc];
	s1 =	sshll.u32 s11, $0xA;
	[tilespmem:s5+$0x1400] =	vst v2  }
0x238: {  	s9 =	rddreg [dreg:$0x5];
	s2 =	simm.s32 $0x800;
	s1 =	sadd.s32 s1, s12;
	v2 =	vadd.s32 v6, v3;
	[tilespmem:s5+$0x1000] =	vst v1  }
0x239: {  	s13 =	rddreg [dreg:$0x3];
	s19 =	simm.s32 $0x0;
	s1 =	sshrl.u32 s1, $0x3;
	[tilespmem:s5+$0x800] =	vst v2  }
0x23a: {  	[tilespmem:s18], [sflag:$0x2] =	stream.indirect.gather [hbm4b:s9+s15], $0x8, s2, s15, $0xb8;
	[tilespmem:$0x13000] =	vst v63  }
0x23b: {  	s20 =	simm.s32 $0x9800;
	s23 =	rddreg [dreg:$0x4];
	s14 =	sadd.s32 s13, s1  }
0x23c: {  	[tilespmem:s20], [sflag:$0x1] =	stream.linear.gather [hbm4b:s14+s19], $0x400, $0x38;
	[tilespmem:$0x13000] =	vst v63  }
0x23d: {  	s25 =	simm.s32 $0x9C00;
	s1 =	sadd.s32 s23, s1  }
0x23e: {  	[tilespmem:s25], [sflag:$0x1] =	stream.linear.gather [hbm4b:s1+s19], $0x400, $0x38;
	[tilespmem:$0x13000] =	vst v63  }
0x23f: {  	_ =	swait.ge [sflag:s28], $0x2000  }
0x240: {  	s31 =	simm.s32 $0x0;
	[sflag:s28] =	ssyncset.done $0x0  }
0x241: {  	v1 =	vmov s31;
	[sflag:s28] =	ssyncadd.s32 $0xFFFFE000  }
0x242: {  	v1 =	vshll.u32 v1, $0x3;
	_ =	swait.ge [sflag:s28], $0x2000  }
0x243: {  	v2 =	vor.u32 v0, v1;
	[sflag:s28] =	ssyncset.done $0x0  }
0x244: {  	s1 =	simm.s32 @!p0 $0x4;
	[sflag:s28] =	ssyncadd.s32 $0xFFFFE000  }
0x245: {  	v1 =	vor.u32 $0x3, v2;
	_ =	swait.ge @!p0 [sflag:s1], $0x2000  }
0x246: {  	[sflag:s1] =	ssyncset.done @!p0 $0x0  }
0x247: {  	[sflag:s1] =	ssyncadd.s32 @!p0 $0xFFFFE000  }
0x248: {  	v3 =	vld.idx.msk [tilespmem:v2+s30+$0x0], $0xffff  }
0x249: {  	v4 =	vld.idx.msk [tilespmem:v2+s0+$0x0], $0xffff  }
0x24a: {  	v5 =	vld.idx.msk [tilespmem:v1+s30+$0x0], $0xffff  }
0x24b: {  	v1 =	vld.idx.msk [tilespmem:v1+s0+$0x0], $0xffff  }
0x24c: {  	s1 =	simm.s32 $0xA800  }
0x24d: {  	v6 =	vld [tilespmem:s1+$0x0];
	_ =	sdelay $0x2  }
0x24e: {  	v5 =	vsub.f32 v5, v3;
	v1 =	vsub.f32 v1, v4;
	_ =	sdelay $0x1  }
0x24f: {  	s8 =	simm.s32 $0xAC00;
	v5 =	vmul.f32 v5, v6;
	v7 =	vmul.f32 v1, v6  }
0x250: {  	v1 =	vld [tilespmem:s8+$0x0]  }
0x251: {  	v3 =	vadd.f32 v5, v3;
	v4 =	vadd.f32 v7, v4;
	_ =	sdelay $0x1  }
0x252: {  	v4 =	vsub.f32 v4, v3;
	_ =	sdelay $0x1  }
0x253: {  	v5 =	vor.u32 $0x4, v2;
	v4 =	vmul.f32 v4, v1  }
0x254: {  	v7 =	vor.u32 $0x1, v2  }
0x255: {  	v3 =	vadd.f32 v4, v3;
	_ =	sdelay $0x1  }
0x256: {  	[tilespmem:v2+s3+$0x0] =	vst.idx.msk $0xffff, v3  }
0x257: {  	v3 =	vld.idx.msk [tilespmem:v5+s0+$0x0], $0xffff  }
0x258: {  	v4 =	vld.idx.msk [tilespmem:v7+s30+$0x0], $0xffff  }
0x259: {  	v63 =	vld.idx.msk [tilespmem:v7+s0+$0x0], $0xffff  }
0x25a: {  	v5 =	vld.idx.msk [tilespmem:v5+s30+$0x0], $0xffff;
	_ =	sdelay $0x4  }
0x25b: {  	v3 =	vsub.f32 v3, v63;
	v5 =	vsub.f32 v5, v4;
	_ =	sdelay $0x1  }
0x25c: {  	v3 =	vmul.f32 v3, v6;
	v5 =	vmul.f32 v5, v6;
	_ =	sdelay $0x1  }
0x25d: {  	v3 =	vadd.f32 v3, v63;
	v4 =	vadd.f32 v5, v4;
	_ =	sdelay $0x1  }
0x25e: {  	v3 =	vsub.f32 v3, v4;
	_ =	sdelay $0x1  }
0x25f: {  	v5 =	vor.u32 $0x5, v2;
	v3 =	vmul.f32 v3, v1  }
0x260: {  	v2 =	vor.u32 $0x2, v2  }
0x261: {  	v3 =	vadd.f32 v3, v4;
	_ =	sdelay $0x1  }
0x262: {  	[tilespmem:v7+s3+$0x0] =	vst.idx.msk $0xffff, v3  }
0x263: {  	v4 =	vld.idx.msk [tilespmem:v5+s0+$0x0], $0xffff  }
0x264: {  	v7 =	vld.idx.msk [tilespmem:v2+s0+$0x0], $0xffff  }
0x265: {  	v3 =	vld.idx.msk [tilespmem:v2+s30+$0x0], $0xffff  }
0x266: {  	v5 =	vld.idx.msk [tilespmem:v5+s30+$0x0], $0xffff;
	_ =	sdelay $0x3  }
0x267: {  	v4 =	vsub.f32 v4, v7  }
0x268: {  	v5 =	vsub.f32 v5, v3  }
0x269: {  	v4 =	vmul.f32 v4, v6  }
0x26a: {  	v5 =	vmul.f32 v5, v6  }
0x26b: {  	s2 =	simm.s32 $0x0;
	s9 =	simm.s32 $0x10;
	v4 =	vadd.f32 v4, v7  }
.LBB2_15:
0x26c: {  	p0 =	sne.s32 s9, $0x3F0;
	v3 =	vadd.f32 v5, v3;
	s1 =	sadd.s32 $0x10, s1;
	s8 =	sadd.s32 $0x10, s8  }
0x26d: {  	s4 =	smov.u32 s9;
	s9 =	sadd.s32 $0x10, s9  }
0x26e: {  	v5 =	vmov s4;
	v4 =	vsub.f32 v4, v3  }
0x26f: {  	v5 =	vshll.u32 v5, $0x3  }
0x270: {  	v5 =	vor.u32 v0, v5;
	v1 =	vmul.f32 v4, v1  }
0x271: {  	v4 =	vor.u32 $0x3, v5  }
0x272: {  	v1 =	vadd.f32 v1, v3;
	_ =	sdelay $0x1  }
0x273: {  	[tilespmem:v2+s3+$0x0] =	vst.idx.msk $0xffff, v1  }
0x274: {  	v2 =	vld.idx.msk [tilespmem:v5+s30+$0x0], $0xffff  }
0x275: {  	v3 =	vld.idx.msk [tilespmem:v5+s0+$0x0], $0xffff  }
0x276: {  	v1 =	vld.idx.msk [tilespmem:v4+s30+$0x0], $0xffff  }
0x277: {  	v4 =	vld.idx.msk [tilespmem:v4+s0+$0x0], $0xffff;
	_ =	sdelay $0x2  }
0x278: {  	v6 =	vld [tilespmem:s1+$0x0];
	_ =	sdelay $0x1  }
0x279: {  	v1 =	vsub.f32 v1, v2  }
0x27a: {  	v4 =	vsub.f32 v4, v3;
	_ =	sdelay $0x1  }
0x27b: {  	v7 =	vmul.f32 v1, v6;
	v4 =	vmul.f32 v4, v6  }
0x27c: {  	v1 =	vld [tilespmem:s8+$0x0]  }
0x27d: {  	v2 =	vadd.f32 v7, v2;
	v3 =	vadd.f32 v4, v3;
	_ =	sdelay $0x1  }
0x27e: {  	v3 =	vsub.f32 v3, v2;
	_ =	sdelay $0x1  }
0x27f: {  	v4 =	vor.u32 $0x4, v5;
	v3 =	vmul.f32 v3, v1  }
0x280: {  	v7 =	vor.u32 $0x1, v5  }
0x281: {  	v2 =	vadd.f32 v3, v2;
	_ =	sdelay $0x1  }
0x282: {  	[tilespmem:v5+s3+$0x0] =	vst.idx.msk $0xffff, v2  }
0x283: {  	v2 =	vld.idx.msk [tilespmem:v4+s0+$0x0], $0xffff  }
0x284: {  	v3 =	vld.idx.msk [tilespmem:v7+s30+$0x0], $0xffff  }
0x285: {  	v8 =	vld.idx.msk [tilespmem:v7+s0+$0x0], $0xffff  }
0x286: {  	v4 =	vld.idx.msk [tilespmem:v4+s30+$0x0], $0xffff;
	_ =	sdelay $0x4  }
0x287: {  	v2 =	vsub.f32 v2, v8  }
0x288: {  	v4 =	vsub.f32 v4, v3  }
0x289: {  	v2 =	vmul.f32 v2, v6  }
0x28a: {  	v4 =	vmul.f32 v4, v6  }
0x28b: {  	v2 =	vadd.f32 v2, v8  }
0x28c: {  	v3 =	vadd.f32 v4, v3;
	_ =	sdelay $0x1  }
0x28d: {  	v2 =	vsub.f32 v2, v3;
	_ =	sdelay $0x1  }
0x28e: {  	v4 =	vmul.f32 v2, v1;
	v2 =	vor.u32 $0x2, v5  }
0x28f: {  	v5 =	vor.u32 $0x5, v5  }
0x290: {  	v3 =	vadd.f32 v4, v3;
	_ =	sdelay $0x1  }
0x291: {  	[tilespmem:v7+s3+$0x0] =	vst.idx.msk $0xffff, v3  }
0x292: {  	v3 =	vld.idx.msk [tilespmem:v2+s30+$0x0], $0xffff  }
0x293: {  	v4 =	vld.idx.msk [tilespmem:v5+s0+$0x0], $0xffff  }
0x294: {  	v7 =	vld.idx.msk [tilespmem:v2+s0+$0x0], $0xffff  }
0x295: {  	v5 =	vld.idx.msk [tilespmem:v5+s30+$0x0], $0xffff;
	_ =	sdelay $0x4  }
.Ltmp6:
0x296: {  	v4 =	vsub.f32 v4, v7;
	(pc) =	sbr.rel @p0 .LBB2_15-.Ltmp6, $4  }
0x297: {  	v5 =	vsub.f32 v5, v3  }
0x298: {  	v4 =	vmul.f32 v4, v6  }
0x299: {  	v5 =	vmul.f32 v5, v6  }
0x29a: {  	v4 =	vadd.f32 v4, v7  }
0x29b: {  	v3 =	vadd.f32 v5, v3;
	_ =	sdelay $0x1  }
0x29c: {  	v4 =	vsub.f32 v4, v3  }
0x29d: {  	s10 =	sadd.s32 $0x1, s10  }
0x29e: {  	p0 =	sne.s32 s10, $0x20;
	v1 =	vmul.f32 v4, v1  }
.Ltmp7:
0x29f: {  	_ = 	snop;
	(pc) =	sbr.rel @p0 .LBB2_4-.Ltmp7, $3  }
0x2a0: {  	v1 =	vadd.f32 v1, v3;
	_ =	sdelay $0x1  }
0x2a1: {  	s1 =	sadd.s32 $0x400, s7;
	[tilespmem:v2+s3+$0x0] =	vst.idx.msk $0xffff, v1  }
0x2a2: {  	[hbm4b:s1+s2] =	stream.linear.scatter [tilespmem:s3], [sflag:$0x4], $0x2000, $0x38;
	[tilespmem:$0x13000] =	vst v63  }
0x2a3: {  	_ =	swait.ge [sflag:s21], $0x2000  }
0x2a4: {  	[sflag:s21] =	ssyncset.done $0x0  }
0x2a5: {  	[sflag:s21] =	ssyncadd.s32 $0xFFFFE000  }
0x2a6: {  	_ =	swait.ge [sflag:s16], $0x400  }
0x2a7: {  	[sflag:s16] =	ssyncset.done $0x0  }
0x2a8: {  	[sflag:s16] =	ssyncadd.s32 $0xFFFFFC00  }
0x2a9: {  	_ =	swait.ge [sflag:s16], $0x400  }
0x2aa: {  	[sflag:s16] =	ssyncset.done $0x0  }
0x2ab: {  	s2 =	simm.s32 $0x4;
	[sflag:s16] =	ssyncadd.s32 $0xFFFFFC00  }
0x2ac: {  	_ =	swait.ge [sflag:s2], $0x2000  }
0x2ad: {  	[sflag:s2] =	ssyncset.done $0x0  }
0x2ae: {  	[sflag:s2] =	ssyncadd.s32 $0xFFFFE000  }
0x2af: {  	_ =	swait.ge [sflag:s2], $0x2000  }
0x2b0: {  	s4 =	rddreg [dreg:$0xe]  }
0x2b1: {  	s1 =	rddreg [dreg:$0xd];
	s4 =	sadd.s32 $0x1, s4  }
0x2b2: {  	p0 =	sne.s32 s4, s1  }
.Ltmp8:
0x2b3: {  	_ = 	snop;
	(pc) =	sbr.rel @p0 .LBB2_1-.Ltmp8, $3  }
0x2b4: {  	_ =	sdelay $0x1  }
0x2b5: {  	[sflag:s2] =	ssyncset.done $0x0  }
0x2b6: {  	[sflag:s2] =	ssyncadd.s32 $0xFFFFE000  }
0x2b7: {  	_ =	sfence.sel $0x180000  }
0x2b8: {  	[bflag:$0x0] =	sbarrier.arrive $0xFFFF  }
0x2b9: {  	_ =	strace $0x9000004A  }
0x2ba: {  	s0 =	stileid.u32;
	[bflag:$0x2] =	sbarrier.arrive $0xFFFF  }
0x2bb: {  	p0 =	sne.s32 s0, $0x0;
	s0 =	rddreg [dreg:$0x2]  }
0x2bc: {  	s0 =	sadd.s32 @!p0 $0x100000, s0  }
0x2bd: {  	[sflag:s0] =	ssyncadd.tile.s32 @!p0 $0x1;
	_ =	shalt  }
.Lfunc_end2:
_tile_overlayer_lowered:
.L_overlay_start_2:
0x2be: {  	(tag) =	ssettag $0x2  }
0x2bf: {  	s0 =	rddreg [dreg:$0x0];
	s2 =	stileid.u32  }
0x2c0: {  	s1 =	rddreg [dreg:$0x1];
	p0 =	sne.s32 s2, $0x0  }
0x2c1: {  	s3 =	rddreg [dreg:$0x2];
	[bflag:$0x3] =	sbarrier.arrive $0xFFFF;
	s2 =	simm.s32 @!p0 $0x1C05  }
0x2c2: {  	[timem:s3], [sflag:s2] =	dma.local @!p0 [hbm:s0], s1  }
0x2c3: {  	s0 =	simm.s32 @!p0 $0x5  }
0x2c4: {  	_ =	swait.ge @!p0 [sflag:s0], s1  }
0x2c5: {  	s1 =	ssub.s32 @!p0 $0x0, s1;
	[sflag:s0] =	ssyncset.done @!p0 $0x0  }
0x2c6: {  	[sflag:s0] =	ssyncadd.s32 @!p0 s1  }
0x2c7: {  	[bflag:$0x3] =	sbarrier.arrive $0xFFFF  }
0x2c8: {  	_ =	shalt  }

// kernel: sparse-core-data-format-call.cloned.1.call-start
scs
called_computation_lowered:
.L_overlay_start_0:
0x0: {  	s1 =	sld [smem:$0x3FD9]  }
0x1: {  	s2 =	sld [smem:$0x3FFE];
	_ =	sdelay $0x1  }
0x2: {  	s3 =	srdreg.scid  }
0x3: {  	s0 =	sand.u32 $0x1, s3  }
0x4: {  	s17 =	sshll.u32 s0, $0xA;
	s1 =	sadd.s32 s2, s1  }
0x5: {  	s1 =	sadd.s32 s1, s17  }
0x6: {  	[smem:$0x3FC5] =	sst s1  }
0x7: {  	_ = 	snop  }
0x8: {  	(tm) =	ssettm $0x1  }
0x9: {  	s18 =	sld [smem:$0x3FFB];
	_ =	sdelay $0x3  }
0xa: {  	_ =	strace s18  }
0xb: {  	s1 =	sld [smem:$0x3FFC];
	_ =	sdelay $0x3  }
0xc: {  	_ =	strace s1  }
0xd: {  	s1 =	sld [smem:$0x3FFD];
	_ =	sdelay $0x3  }
0xe: {  	_ =	strace s1  }
0xf: {  	_ =	strace $0x8FFFFFFF  }
0x10: {  	s19 =	sld [smem:$0x3FDB];
	_ =	sdelay $0x1  }
0x11: {  	s20 =	simm.s32 $_scs_section_size  }
0x12: {  	s4 =	simm.s32 $_size__tile_overlayer_lowered;
	s5 =	simm.s32 $_tile_overlayer_lowered  }
0x13: {  	s23 =	simm.s32 $0x1BFF;
	s22 =	sshll.u32 s5, $0x1;
	s1 =	sadd.s32 s20, s19  }
0x14: {  	s6 =	simm.s32 $0x0;
	s21 =	sshll.u32 s4, $0x1;
	s4 =	sadd.s32 s22, s1  }
0x15: {  	[timem:s6], [sflag:s23] =	dma.local [hbm:s4], s21  }
0x16: {  	_ =	swait.ge [sflag:s23], s21  }
0x17: {  	s2 =	ssub.s32 $0x0, s21;
	[sflag:s23] =	ssyncset.done $0x0  }
0x18: {  	[sflag:s23] =	ssyncadd.s32 s2;
	_ =	sdelay $0x1  }
0x19: {  	s24 =	simm.s32 $0x1B8B  }
0x1a: {  	_ =	swait.ge [sflag:s24], $0x1  }
0x1b: {  	[sflag:s24] =	ssyncset.done $0x0  }
0x1c: {  	s26 =	simm.s32 $0x1B8E;
	s25 =	sld [smem:$0x3FFE];
	[sflag:s24] =	ssyncadd.s32 $0xFFFFFFFF  }
0x1d: {  	s27 =	simm.s32 $execute0_lowered;
	[smem:$0x3FD2] =	sst s26  }
0x1e: {  	s4 =	sshll.u32 s27, $0x1;
	_ =	strace $0x80000046;
	[dreg:$0x1] =	wrdreg $0xFFFFFFFF  }
0x1f: {  	s28 =	simm.s32 $_size_execute0_lowered;
	s1 =	sadd.s32 s1, s4;
	[dreg:$0x0] =	wrdreg $0x0  }
0x20: {  	s4 =	sshll.u32 s28, $0x1;
	[dreg:$0x2] =	wrdreg s1  }
0x21: {  	[dreg:$0x3] =	wrdreg s4  }
0x22: {  	[dreg:$0x4] =	wrdreg $0xC0  }
0x23: {  	_ =	task [dreg:s6], $0x5FFFF  }
0x24: {  	[dreg:$0x1] =	wrdreg $0xFFFFFFFF  }
0x25: {  	[dreg:$0x0] =	wrdreg $0x60  }
0x26: {  	[dreg:$0x2] =	wrdreg s25  }
0x27: {  	[dreg:$0x3] =	wrdreg $0x9  }
0x28: {  	_ =	task.clear_ibuf [dreg:s6], $0x4FFFF;
	_ =	strace $0x90000046  }
0x29: {  	s29 =	simm.s32 $0x9;
	_ =	strace $0x80000048  }
0x2a: {  	_ =	swait.ge [sflag:s29], $0x1  }
0x2b: {  	[sflag:s29] =	ssyncadd.s32 $0xFFFFFFFF  }
0x2c: {  	_ =	strace $0x90000048  }
0x2d: {  	_ =	sfence  }
0x2e: {  	s30 =	sld [smem:$0x0];
	_ =	sdelay $0x2  }
0x2f: {  	s31 =	sshll.u32 s3, $0xD;
	s3 =	sshrl.u32 s3, $0x2  }
0x30: {  	s2 =	sand.u32 $0x4000, s31;
	s1 =	sadd.s32 s3, s30  }
0x31: {  	s0 =	sor.u32 s2, s0;
	s1 =	sshll.u32 s1, $0x11  }
0x32: {  	s0 =	sor.u32 s1, s0  }
0x33: {  	s0 =	sadd.s32 $0x8F2B, s0  }
0x34: {  	[sflag:s0] =	ssyncadd.remote.s32 $0x1  }
0x35: {  	_ =	sfence.sel $0xFFFF  }
0x36: {  	[dreg:$0x0] =	wrdreg $0xFFFFFFFF;
	(pc) =	sbr.abs _section_cstart, $3  }
0x37: {  	[dreg:$0x1] =	wrdreg $0xFFFFFFFF  }
0x38: {  	_ =	task.clear_ibuf [dreg:s6], $0x2FFFF;
	_ =	strace $0x9FFFFFFF  }
0x39: {  	(tm) =	ssettm $0x7FFFFFFF  }
tec
execute0_lowered:
.L_overlay_start_1:
0x0: {  	(tag) =	ssettag $0x1  }
0x1: {  	s0 =	srdreg.scid  }
0x2: {  	s6 =	rddreg [dreg:$0x0];
	s3 =	simm.s32 $0x1;
	s7 =	simm.s32 $0x2  }
0x3: {  	s16 =	simm.s32 $0x0;
	p0 =	por $0x0, $0x0;
	s8 =	simm.s32 $0x80  }
0x4: {  	s17 =	simm.s32 $0x0;
	s18 =	simm.s32 $0x0;
	s1 =	sshll.u32 s0, $0x4  }
0x5: {  	s9 =	simm.s32 $0x0;
	s0 =	stileid.u32;
	s1 =	sand.u32 $0x10, s1  }
0x6: {  	s10 =	simm.s32 $0x0;
	s11 =	simm.s32 $0x0;
	s2 =	sor.u32 s0, s1  }
.Ltmp0:
0x7: {  	s12 =	simm.s32 $0x0;
	s4 =	ssub.s32 $0xA0F, s2;
	(pc) =	sbr.rel .LBB1_1-.Ltmp0, $4  }
0x8: {  	s13 =	simm.s32 $0x0;
	s15 =	simm.s32 $0x0;
	s4 =	sshrl.u32 s4, $0x5  }
0x9: {  	s1 =	rddreg [dreg:$0x1];
	_ =	strace $0x80000047;
	s4 =	smul.u32 $0x5, s4  }
0xa: {  	s5 =	sadd.s32 $0x4A9600, s6;
	s6 =	sadd.s32 $0xADF600, s6;
	[sflag:s3] =	ssyncpa.u1 $0x0  }
0xb: {  	s14 =	smov.u32 s2;
	[sflag:s7] =	ssyncpa.u1 $0x0;
	s7 =	sadd.s32 $0x1, s4  }
.LBB1_4:
0xc: {  	s25 =	sand.u32 $0x180, s25;
	s21 =	sadd.s32 s27, s21;
	v31 =	vld [tilespmem:s23+$0x450]  }
0xd: {  	[tilespmem:s22+$0xE10 ss:$0x9] =	vst.msk $0xffff, v3;
	v32 =	vld [tilespmem:s23+$0x460];
	s21 =	sadd.s32 s25, s21  }
0xe: {  	[tilespmem:s22+$0xEA0 ss:$0x9] =	vst.msk $0xffff, v1;
	v5 =	vld [tilespmem:s21+$0xC00]  }
0xf: {  	[tilespmem:s22+$0xF30 ss:$0x9] =	vst.msk $0xffff, v0;
	v33 =	vld [tilespmem:s21+$0x400]  }
0x10: {  	[tilespmem:s22+$0xFC0 ss:$0x9] =	vst.msk $0xffff, v2;
	v34 =	vld [tilespmem:s21+$0x800];
	s21 =	sadd.s32 $0x80, s23  }
0x11: {  	[tilespmem:s22+$0x1050 ss:$0x9] =	vst.msk $0xffff, v4;
	v35 =	vld [tilespmem:s21+$0xFFFFF7F0]  }
0x12: {  	s24 =	sshra.s32 s24, $0x2;
	v36 =	vld [tilespmem:s21+$0xFFFFF800];
	[tilespmem:s22+$0x10E0 ss:$0x9] =	vst.msk $0xffff, v31  }
0x13: {  	s20 =	sadd.s32 s24, s20;
	v37 =	vld [tilespmem:s21+$0xFFFFF810];
	[tilespmem:s22+$0x1170 ss:$0x9] =	vst.msk $0xffff, v32  }
0x14: {  	v38 =	vld [tilespmem:s21+$0xFFFFF820];
	[tilespmem:s20+$0xD80 ss:$0x9] =	vst.msk $0xffff, v5  }
0x15: {  	v39 =	vld [tilespmem:s21+$0xFFFFF830];
	[tilespmem:s20+$0x480 ss:$0x9] =	vst.msk $0xffff, v33  }
0x16: {  	v40 =	vld [tilespmem:s21+$0xFFFFF840];
	[tilespmem:s20+$0x900 ss:$0x9] =	vst.msk $0xffff, v34  }
0x17: {  	v41 =	vld [tilespmem:s21+$0xFFFFF850];
	[tilespmem:s20+$0x0 ss:$0x9] =	vst.msk $0xffff, v35  }
0x18: {  	v42 =	vld [tilespmem:s21+$0xFFFFF860];
	[tilespmem:s20+$0x90 ss:$0x9] =	vst.msk $0xffff, v36  }
0x19: {  	v43 =	vld [tilespmem:s21+$0xFFFFFC00];
	[tilespmem:s20+$0x120 ss:$0x9] =	vst.msk $0xffff, v37  }
0x1a: {  	v44 =	vld [tilespmem:s21+$0xFFFFFC10];
	[tilespmem:s20+$0x1B0 ss:$0x9] =	vst.msk $0xffff, v38  }
0x1b: {  	v45 =	vld [tilespmem:s21+$0xFFFFFC20];
	[tilespmem:s20+$0x240 ss:$0x9] =	vst.msk $0xffff, v39  }
0x1c: {  	v46 =	vld [tilespmem:s21+$0xFFFFFC30];
	[tilespmem:s20+$0x2D0 ss:$0x9] =	vst.msk $0xffff, v40  }
0x1d: {  	v47 =	vld [tilespmem:s21+$0xFFFFFC40];
	[tilespmem:s20+$0x360 ss:$0x9] =	vst.msk $0xffff, v41  }
0x1e: {  	v48 =	vld [tilespmem:s21+$0xFFFFFC50];
	[tilespmem:s20+$0x3F0 ss:$0x9] =	vst.msk $0xffff, v42  }
0x1f: {  	v49 =	vld [tilespmem:s21+$0xFFFFFC60];
	[tilespmem:s20+$0x510 ss:$0x9] =	vst.msk $0xffff, v43  }
0x20: {  	v50 =	vld [tilespmem:s21+$0x0];
	[tilespmem:s20+$0x5A0 ss:$0x9] =	vst.msk $0xffff, v44  }
0x21: {  	s26 =	sshll.u32 s10, $0x3;
	v51 =	vld [tilespmem:s21+$0x10];
	[tilespmem:s20+$0x630 ss:$0x9] =	vst.msk $0xffff, v45  }
0x22: {  	p1 =	sgt.s32 s11, $0x9EF;
	s28 =	sshra.s32 s11, $0x1F;
	p2 =	sgt.s32 s10, $0x78;
	v52 =	vld [tilespmem:s21+$0x20];
	[tilespmem:s20+$0x6C0 ss:$0x9] =	vst.msk $0xffff, v46  }
0x23: {  	s30 =	sshra.s32 s10, $0x1F;
	s25 =	sshll.u32 s9, $0x7;
	s24 =	sand.u32 s28, s11;
	v53 =	vld [tilespmem:s21+$0x30];
	[tilespmem:s20+$0x750 ss:$0x9] =	vst.msk $0xffff, v47  }
0x24: {  	s31 =	sand.u32 s30, s10;
	s27 =	sand.u32 $0xFFFFFC00, s25;
	s23 =	sand.u32 $0xFFFFFC00, s26;
	v54 =	vld [tilespmem:s21+$0x40];
	[tilespmem:s20+$0x7E0 ss:$0x9] =	vst.msk $0xffff, v48  }
0x25: {  	s28 =	sshra.s32 s9, $0x1F;
	s23 =	sadd.s32 s23, s27;
	v55 =	vld [tilespmem:s21+$0x50];
	s22 =	sand.u32 $0x380, s25;
	[tilespmem:s20+$0x870 ss:$0x9] =	vst.msk $0xffff, v49  }
0x26: {  	s26 =	smov.u32 s10;
	v56 =	vld [tilespmem:s21+$0x60];
	s22 =	sor.u32 s22, s23;
	s23 =	smov.u32 s11;
	[tilespmem:s20+$0x990 ss:$0x9] =	vst.msk $0xffff, v50  }
0x27: {  	v57 =	vld [tilespmem:s21+$0x400];
	s26 =	simm.s32 @!p2 $0x78;
	p2 =	sgt.s32 s9, $0x7F0;
	s23 =	simm.s32 @!p1 $0x9EF;
	[tilespmem:s20+$0xA20 ss:$0x9] =	vst.msk $0xffff, v51  }
0x28: {  	v58 =	vld [tilespmem:s21+$0x410];
	s27 =	smov.u32 s9;
	s22 =	sshrl.u32 s22, $0x7;
	s23 =	ssub.s32 s23, s24;
	[tilespmem:s20+$0xAB0 ss:$0x9] =	vst.msk $0xffff, v52  }
0x29: {  	s27 =	simm.s32 @!p2 $0x7F0;
	s29 =	smulhi.u32 $0x19C2D15, s22;
	[tilespmem:s20+$0xB40 ss:$0x9] =	vst.msk $0xffff, v53;
	s24 =	sadd.s32 $0xFFFFF611, s23  }
0x2a: {  	v59 =	vld [tilespmem:s21+$0x420];
	[tilespmem:s20+$0xBD0 ss:$0x9] =	vst.msk $0xffff, v54;
	s23 =	ssub.s32 $0x9F0, s23;
	p1 =	sgt.s32 s24, $0x0;
	s24 =	ssub.s32 s26, s31  }
0x2b: {  	v60 =	vld [tilespmem:s21+$0x430];
	[tilespmem:s20+$0xC60 ss:$0x9] =	vst.msk $0xffff, v55;
	s25 =	sshrl.u32 s29, $0x4;
	s26 =	sand.u32 s28, s9;
	s31 =	smul.u32 $0x9F00, s11  }
0x2c: {  	v61 =	vld [tilespmem:s21+$0x440];
	[tilespmem:s20+$0xCF0 ss:$0x9] =	vst.msk $0xffff, v56;
	s26 =	ssub.s32 s27, s26;
	s29 =	sadd.s32 $0xFFFFFF88, s24;
	s23 =	simm.s32 @p1 $0x0  }
0x2d: {  	v62 =	vld [tilespmem:s21+$0x450];
	[tilespmem:s20+$0xE10 ss:$0x9] =	vst.msk $0xffff, v57;
	s24 =	ssub.s32 $0x80, s24;
	s25 =	smul.u32 $0x9F0, s25;
	p1 =	sgt.s32 s29, $0x7  }
0x2e: {  	v63 =	vld [tilespmem:s21+$0x460];
	[tilespmem:s20+$0xEA0 ss:$0x9] =	vst.msk $0xffff, v58;
	s27 =	sand.u32 $0x7, s10;
	s30 =	sadd.s32 $0xFFFFF810, s26;
	s24 =	simm.s32 @p1 $0x0  }
0x2f: {  	[tilespmem:s20+$0xF30 ss:$0x9] =	vst.msk $0xffff, v59;
	s21 =	ssub.s32 $0x9F0, s26;
	p1 =	sgt.s32 s30, $0x1FF;
	s23 =	smul.u32 s23, s24  }
0x30: {  	[tilespmem:s20+$0xFC0 ss:$0x9] =	vst.msk $0xffff, v60;
	s26 =	sshrl.u32 s10, $0x3;
	s22 =	ssub.s32 s22, s25;
	s21 =	simm.s32 @p1 $0x0  }
0x31: {  	[tilespmem:s20+$0x1050 ss:$0x9] =	vst.msk $0xffff, v61;
	s24 =	sadd.s32 s6, s31;
	s21 =	smul.u32 s21, s23;
	s23 =	sand.u32 $0xF, s26  }
0x32: {  	[tilespmem:s20+$0x10E0 ss:$0x9] =	vst.msk $0xffff, v62;
	s28 =	sshll.u32 s27, $0x12;
	s22 =	sshll.u32 s22, $0x4;
	s23 =	sadd.s32 s23, s24  }
0x33: {  	[tilespmem:s20+$0x1170 ss:$0x9] =	vst.msk $0xffff, v63;
	s31 =	sor.u32 $0x8, s28;
	s29 =	sand.u32 $0x3FFFFFFF, s21;
	s30 =	sadd.s32 s22, s23  }
0x34: {  	[hbm4b:s30+s31] =	stream.strided.scatter [tilespmem:s19], [sflag:$0x2], s29, s8, s31, $0x0;
	[tilespmem:$0x4400] =	vst v63  }
.LBB1_5:
0x35: {  	p1 =	slt.u32 s15, $0x2  }
0x36: {  	p2 =	sgt.s32 @!p1 s18, $0x9EF  }
0x37: {  	s19 =	smov.u32 s18;
	s20 =	sshra.s32 @!p1 s18, $0x1F;
	p2 =	por !p2, p1  }
0x38: {  	s18 =	sand.u32 @!p1 s20, s18;
	s19 =	simm.s32 @p2 $0x9EF  }
0x39: {  	p3 =	sgt.s32 @!p1 s17, $0x78;
	s18 =	ssub.s32 @!p1 s19, s18  }
0x3a: {  	p3 =	por !p3, p1;
	s20 =	sshra.s32 @!p1 s17, $0x1F;
	s19 =	sadd.s32 @!p1 $0xFFFFF611, s18  }
0x3b: {  	s18 =	ssub.s32 @!p1 $0x9F0, s18;
	p2 =	sgt.s32 @!p1 s19, $0x0;
	s19 =	smov.u32 s17  }
0x3c: {  	s17 =	sand.u32 @!p1 s20, s17;
	s19 =	simm.s32 @p3 $0x78;
	p3 =	sgt.s32 @!p1 s16, $0x7F0  }
0x3d: {  	s20 =	smov.u32 s16;
	p2 =	por !p2, p1;
	p3 =	por !p3, p1  }
0x3e: {  	s17 =	ssub.s32 @!p1 s19, s17;
	s19 =	sshra.s32 @!p1 s16, $0x1F;
	s18 =	simm.s32 @!p2 $0x0  }
0x3f: {  	s20 =	simm.s32 @p3 $0x7F0;
	s16 =	sand.u32 @!p1 s19, s16;
	s19 =	sadd.s32 @!p1 $0xFFFFFF88, s17  }
0x40: {  	s17 =	ssub.s32 @!p1 $0x80, s17;
	s16 =	ssub.s32 @!p1 s20, s16;
	p2 =	sgt.s32 @!p1 s19, $0x7  }
0x41: {  	s20 =	smov.u32 s13;
	s19 =	sadd.s32 @!p1 $0xFFFFF810, s16;
	p2 =	por !p2, p1  }
0x42: {  	s16 =	ssub.s32 @!p1 $0x9F0, s16;
	p3 =	sgt.s32 @!p1 s19, $0x1FF;
	s17 =	simm.s32 @!p2 $0x0  }
0x43: {  	s19 =	sadd.s32 $0x200, s12;
	p2 =	por !p3, p1;
	s17 =	smul.u32 @!p1 s18, s17  }
0x44: {  	s18 =	sadd.s32 $0x8, s13;
	s16 =	simm.s32 @!p2 $0x0;
	p2 =	sgt.s32 s19, $0x9EF  }
0x45: {  	s21 =	smov.u32 s14;
	s20 =	smov.u32 @p2 s18  }
0x46: {  	s16 =	smul.u32 @!p1 s16, s17;
	s17 =	sadd.s32 $0x20, s14;
	p3 =	sgt.s32 s20, $0x7  }
0x47: {  	p0 =	por !p0, !p0;
	s22 =	simm.s32 @!p1 $0x2;
	s21 =	smov.u32 @p3 s17  }
0x48: {  	s19 =	simm.s32 @p2 $0x0;
	s18 =	smov.u32 s11;
	p2 =	sgt.s32 s21, $0x9EF  }
0x49: {  	s11 =	smov.u32 s14;
	s21 =	smov.u32 @p2 s2;
	p2 =	sne.s32 s15, s7  }
.Ltmp1:
0x4a: {  	s16 =	sand.u32 @!p1 $0x3FFFFFFF, s16;
	s20 =	simm.s32 @p3 $0x0;
	(pc) =	sbr.rel @!p2 .LBB1_6-.Ltmp1, $4  }
0x4b: {  	s17 =	smov.u32 s10;
	s10 =	smov.u32 s13;
	_ =	swait.ge @!p1 [sflag:s22], s16  }
0x4c: {  	s23 =	ssub.s32 @!p1 $0x0, s16;
	s16 =	smov.u32 s9;
	s9 =	smov.u32 s12  }
0x4d: {  	s12 =	smov.u32 s19;
	s13 =	smov.u32 s20;
	[sflag:s22] =	ssyncset.done @!p1 $0x0  }
0x4e: {  	s15 =	sadd.s32 $0x1, s15;
	[sflag:s22] =	ssyncadd.s32 @!p1 s23;
	s14 =	smov.u32 s21  }
.LBB1_1:
0x4f: {  	p1 =	sge.u32 s15, s4  }
0x50: {  	s19 =	sshrl.u32 @!p1 s13, $0x3  }
0x51: {  	s20 =	sshll.u32 @!p1 s12, $0x3;
	s19 =	smul.u32 @!p1 $0x5000, s19  }
0x52: {  	s21 =	sshll.u32 @!p1 s13, $0x7;
	s20 =	sand.u32 @!p1 $0xFFFFFC00, s20  }
0x53: {  	s19 =	sadd.s32 @!p1 s19, s20;
	s20 =	sand.u32 @!p1 $0x380, s21  }
0x54: {  	s21 =	sand.u32 @!p1 $0x7F, s12;
	s19 =	sor.u32 @!p1 s20, s19  }
0x55: {  	s20 =	sor.u32 @!p1 s21, s19;
	s19 =	smulhi.u32 @!p1 $0xCCCCCCCD, s19  }
0x56: {  	s21 =	smulhi.u32 @!p1 $0xCCCCCCCD, s20;
	_ =	sdelay $0x1  }
0x57: {  	s22 =	smul.u32 @!p1 $0xA00, s14;
	s19 =	sshrl.u32 @!p1 s19, $0xB;
	s21 =	sshrl.u32 @!p1 s21, $0xB  }
0x58: {  	s19 =	sand.u32 @!p1 $0x7, s19;
	s21 =	smul.u32 @!p1 $0xA00, s21  }
0x59: {  	s31 =	sadd.s32 $0xFFFFFFFF, s15;
	s19 =	smul.u32 @!p1 $0x140, s19  }
0x5a: {  	s23 =	sxor.u32 @!p1 $0xFFFFFFFF, s15;
	s20 =	ssub.s32 @!p1 s20, s21;
	s21 =	sadd.s32 @!p1 s5, s22  }
0x5b: {  	s22 =	sshll.u32 @!p1 s23, $0xC;
	s23 =	sshrl.u32 @!p1 s20, $0x3;
	s19 =	sadd.s32 @!p1 s19, s21  }
0x5c: {  	s21 =	sand.u32 @!p1 $0x1000, s22;
	s20 =	sand.u32 @!p1 $0x7, s20;
	s19 =	sadd.s32 @!p1 s23, s19  }
0x5d: {  	[tilespmem:s21], [sflag:$0x1] =	stream.linear.gather @!p1 [hbm4b:s19+s20], $0x1000, $0x38;
	[tilespmem:$0x4400] =	vst v63  }
0x5e: {  	p1 =	sge.u32 s31, s4  }
.Ltmp2:
0x5f: {  	_ = 	snop;
	(pc) =	sbr.rel @p1 .LBB1_5-.Ltmp2, $1  }
0x60: {  	_ =	sdelay $0x3  }
0x61: {  	s19 =	simm.s32 $0x1;
	s24 =	sand.u32 $0x1, s15;
	s20 =	simm.s32 $0x0  }
0x62: {  	_ =	swait.ge [sflag:s3], $0x1000;
	s21 =	sshll.u32 s24, $0xC;
	s22 =	sand.u32 $0x200, s20  }
0x63: {  	[sflag:s3] =	ssyncset.done $0x0;
	s20 =	sand.u32 $0x180, s20;
	s22 =	sadd.s32 s22, s21  }
0x64: {  	s19 =	simm.s32 @!p0 $0x0;
	[sflag:s3] =	ssyncadd.s32 $0xFFFFF000;
	s20 =	sadd.s32 s20, s22  }
0x65: {  	s30 =	smul.u32 $0x4800, s19;
	v0 =	vld [tilespmem:s20+$0xC00]  }
0x66: {  	s19 =	sshll.u32 s19, $0xC;
	v1 =	vld [tilespmem:s20+$0x400]  }
0x67: {  	s23 =	sor.u32 $0x810, s19;
	s22 =	sshrl.u32 s30, $0x2;
	v2 =	vld [tilespmem:s20+$0x800]  }
0x68: {  	v3 =	vld [tilespmem:s23+$0xFFFFF7F0];
	s20 =	sor.u32 $0x2000, s22  }
0x69: {  	v4 =	vld [tilespmem:s23+$0xFFFFF800];
	s22 =	sadd.s32 $0x0, s20  }
0x6a: {  	v5 =	vld [tilespmem:s23+$0xFFFFF810];
	[tilespmem:s22+$0xD80 ss:$0x9] =	vst.msk $0xffff, v0  }
0x6b: {  	v6 =	vld [tilespmem:s23+$0x60];
	[tilespmem:s22+$0x480 ss:$0x9] =	vst.msk $0xffff, v1  }
0x6c: {  	v0 =	vld [tilespmem:s23+$0xFFFFF820];
	[tilespmem:s22+$0x900 ss:$0x9] =	vst.msk $0xffff, v2  }
0x6d: {  	[tilespmem:s22+$0x0 ss:$0x9] =	vst.msk $0xffff, v3;
	v2 =	vld [tilespmem:s23+$0xFFFFF840]  }
0x6e: {  	v1 =	vld [tilespmem:s23+$0xFFFFF830];
	[tilespmem:s22+$0x90 ss:$0x9] =	vst.msk $0xffff, v4  }
0x6f: {  	v3 =	vld [tilespmem:s23+$0xFFFFF850];
	[tilespmem:s22+$0x120 ss:$0x9] =	vst.msk $0xffff, v5  }
0x70: {  	v4 =	vld [tilespmem:s23+$0xFFFFF860];
	[tilespmem:s22+$0xCF0 ss:$0x9] =	vst.msk $0xffff, v6  }
0x71: {  	[tilespmem:s22+$0x1B0 ss:$0x9] =	vst.msk $0xffff, v0;
	v0 =	vld [tilespmem:s23+$0xFFFFFC00]  }
0x72: {  	[tilespmem:s22+$0x2D0 ss:$0x9] =	vst.msk $0xffff, v2;
	v2 =	vld [tilespmem:s23+$0xFFFFFC20]  }
0x73: {  	v5 =	vld [tilespmem:s23+$0x40];
	[tilespmem:s22+$0x240 ss:$0x9] =	vst.msk $0xffff, v1  }
0x74: {  	[tilespmem:s22+$0x360 ss:$0x9] =	vst.msk $0xffff, v3;
	v3 =	vld [tilespmem:s23+$0xFFFFFC30]  }
0x75: {  	v1 =	vld [tilespmem:s23+$0xFFFFFC10];
	[tilespmem:s22+$0x3F0 ss:$0x9] =	vst.msk $0xffff, v4  }
0x76: {  	[tilespmem:s22+$0x510 ss:$0x9] =	vst.msk $0xffff, v0;
	v0 =	vld [tilespmem:s23+$0xFFFFFC50]  }
0x77: {  	[tilespmem:s22+$0x630 ss:$0x9] =	vst.msk $0xffff, v2;
	v2 =	vld [tilespmem:s23+$0x0]  }
0x78: {  	v4 =	vld [tilespmem:s23+$0xFFFFFC40];
	[tilespmem:s22+$0xBD0 ss:$0x9] =	vst.msk $0xffff, v5  }
0x79: {  	[tilespmem:s22+$0x6C0 ss:$0x9] =	vst.msk $0xffff, v3;
	v3 =	vld [tilespmem:s23+$0x10]  }
0x7a: {  	[tilespmem:s22+$0x5A0 ss:$0x9] =	vst.msk $0xffff, v1;
	v1 =	vld [tilespmem:s23+$0xFFFFFC60]  }
0x7b: {  	[tilespmem:s22+$0x7E0 ss:$0x9] =	vst.msk $0xffff, v0;
	v0 =	vld [tilespmem:s23+$0x30]  }
0x7c: {  	[tilespmem:s22+$0x990 ss:$0x9] =	vst.msk $0xffff, v2;
	v2 =	vld [tilespmem:s23+$0x50]  }
0x7d: {  	[tilespmem:s22+$0x750 ss:$0x9] =	vst.msk $0xffff, v4;
	v4 =	vld [tilespmem:s23+$0x20]  }
0x7e: {  	[tilespmem:s22+$0xA20 ss:$0x9] =	vst.msk $0xffff, v3;
	v3 =	vld [tilespmem:s23+$0x400]  }
0x7f: {  	s31 =	smul.u32 $0x4800, s24;
	[tilespmem:s22+$0x870 ss:$0x9] =	vst.msk $0xffff, v1;
	v1 =	vld [tilespmem:s23+$0x410]  }
0x80: {  	[tilespmem:s22+$0xB40 ss:$0x9] =	vst.msk $0xffff, v0;
	v0 =	vld [tilespmem:s23+$0x420]  }
0x81: {  	s25 =	simm.s32 $0x80;
	s26 =	simm.s32 $0x8;
	s19 =	sshrl.u32 s31, $0x2;
	[tilespmem:s22+$0xC60 ss:$0x9] =	vst.msk $0xffff, v2;
	v2 =	vld [tilespmem:s23+$0x430]  }
0x82: {  	s24 =	simm.s32 $0x4;
	s27 =	sand.u32 $0x200, s25;
	s19 =	sor.u32 $0x2000, s19;
	[tilespmem:s22+$0xAB0 ss:$0x9] =	vst.msk $0xffff, v4;
	v4 =	vld [tilespmem:s23+$0x440]  }
.LBB1_3:
0x83: {  	p1 =	sne.s32 s26, $0x1C;
	s28 =	sand.u32 $0x180, s25;
	s27 =	sadd.s32 s27, s21;
	[tilespmem:s22+$0xE10 ss:$0x9] =	vst.msk $0xffff, v3;
	v3 =	vld [tilespmem:s23+$0x450]  }
0x84: {  	s27 =	sadd.s32 s28, s27;
	[tilespmem:s22+$0xEA0 ss:$0x9] =	vst.msk $0xffff, v1;
	v1 =	vld [tilespmem:s23+$0x460]  }
0x85: {  	v5 =	vld [tilespmem:s27+$0xC00];
	[tilespmem:s22+$0xF30 ss:$0x9] =	vst.msk $0xffff, v0  }
0x86: {  	v0 =	vld [tilespmem:s27+$0x400];
	[tilespmem:s22+$0xFC0 ss:$0x9] =	vst.msk $0xffff, v2  }
0x87: {  	s23 =	sadd.s32 $0x80, s23;
	v2 =	vld [tilespmem:s27+$0x800];
	[tilespmem:s22+$0x1050 ss:$0x9] =	vst.msk $0xffff, v4  }
0x88: {  	s27 =	sshra.s32 s24, $0x2;
	s24 =	smov.u32 s26;
	v4 =	vld [tilespmem:s23+$0xFFFFF7F0];
	[tilespmem:s22+$0x10E0 ss:$0x9] =	vst.msk $0xffff, v3  }
0x89: {  	v3 =	vld [tilespmem:s23+$0xFFFFF800];
	[tilespmem:s22+$0x1170 ss:$0x9] =	vst.msk $0xffff, v1;
	s22 =	sadd.s32 s27, s20  }
0x8a: {  	v1 =	vld [tilespmem:s23+$0xFFFFF810];
	[tilespmem:s22+$0xD80 ss:$0x9] =	vst.msk $0xffff, v5  }
0x8b: {  	v5 =	vld [tilespmem:s23+$0xFFFFF820];
	[tilespmem:s22+$0x480 ss:$0x9] =	vst.msk $0xffff, v0  }
0x8c: {  	v0 =	vld [tilespmem:s23+$0xFFFFF830];
	[tilespmem:s22+$0x900 ss:$0x9] =	vst.msk $0xffff, v2  }
0x8d: {  	[tilespmem:s22+$0x0 ss:$0x9] =	vst.msk $0xffff, v4;
	v2 =	vld [tilespmem:s23+$0xFFFFF840]  }
0x8e: {  	[tilespmem:s22+$0x90 ss:$0x9] =	vst.msk $0xffff, v3;
	v3 =	vld [tilespmem:s23+$0xFFFFF850]  }
0x8f: {  	[tilespmem:s22+$0x120 ss:$0x9] =	vst.msk $0xffff, v1;
	v1 =	vld [tilespmem:s23+$0xFFFFF860]  }
0x90: {  	[tilespmem:s22+$0x1B0 ss:$0x9] =	vst.msk $0xffff, v5;
	v4 =	vld [tilespmem:s23+$0xFFFFFC00]  }
0x91: {  	[tilespmem:s22+$0x240 ss:$0x9] =	vst.msk $0xffff, v0;
	v0 =	vld [tilespmem:s23+$0xFFFFFC10]  }
0x92: {  	[tilespmem:s22+$0x2D0 ss:$0x9] =	vst.msk $0xffff, v2;
	v2 =	vld [tilespmem:s23+$0xFFFFFC20]  }
0x93: {  	[tilespmem:s22+$0x360 ss:$0x9] =	vst.msk $0xffff, v3;
	v3 =	vld [tilespmem:s23+$0xFFFFFC30]  }
0x94: {  	[tilespmem:s22+$0x3F0 ss:$0x9] =	vst.msk $0xffff, v1;
	v1 =	vld [tilespmem:s23+$0xFFFFFC40]  }
0x95: {  	[tilespmem:s22+$0x510 ss:$0x9] =	vst.msk $0xffff, v4;
	v4 =	vld [tilespmem:s23+$0xFFFFFC50]  }
0x96: {  	[tilespmem:s22+$0x5A0 ss:$0x9] =	vst.msk $0xffff, v0;
	v0 =	vld [tilespmem:s23+$0xFFFFFC60]  }
0x97: {  	[tilespmem:s22+$0x630 ss:$0x9] =	vst.msk $0xffff, v2;
	v2 =	vld [tilespmem:s23+$0x0]  }
0x98: {  	[tilespmem:s22+$0x6C0 ss:$0x9] =	vst.msk $0xffff, v3;
	v3 =	vld [tilespmem:s23+$0x10]  }
0x99: {  	[tilespmem:s22+$0x750 ss:$0x9] =	vst.msk $0xffff, v1;
	v1 =	vld [tilespmem:s23+$0x20]  }
0x9a: {  	[tilespmem:s22+$0x7E0 ss:$0x9] =	vst.msk $0xffff, v4;
	v4 =	vld [tilespmem:s23+$0x30]  }
0x9b: {  	[tilespmem:s22+$0x870 ss:$0x9] =	vst.msk $0xffff, v0;
	v0 =	vld [tilespmem:s23+$0x40]  }
0x9c: {  	[tilespmem:s22+$0x990 ss:$0x9] =	vst.msk $0xffff, v2;
	v2 =	vld [tilespmem:s23+$0x50]  }
0x9d: {  	[tilespmem:s22+$0xA20 ss:$0x9] =	vst.msk $0xffff, v3;
	v5 =	vld [tilespmem:s23+$0x60]  }
.Ltmp3:
0x9e: {  	[tilespmem:s22+$0xAB0 ss:$0x9] =	vst.msk $0xffff, v1;
	v3 =	vld [tilespmem:s23+$0x400];
	(pc) =	sbr.rel @p1 .LBB1_3-.Ltmp3, $4  }
0x9f: {  	[tilespmem:s22+$0xB40 ss:$0x9] =	vst.msk $0xffff, v4;
	v1 =	vld [tilespmem:s23+$0x410]  }
0xa0: {  	[tilespmem:s22+$0xBD0 ss:$0x9] =	vst.msk $0xffff, v0;
	v0 =	vld [tilespmem:s23+$0x420]  }
0xa1: {  	s25 =	sadd.s32 $0x80, s25;
	[tilespmem:s22+$0xC60 ss:$0x9] =	vst.msk $0xffff, v2;
	v2 =	vld [tilespmem:s23+$0x430]  }
0xa2: {  	s26 =	sadd.s32 $0x4, s26;
	s27 =	sand.u32 $0x200, s25;
	[tilespmem:s22+$0xCF0 ss:$0x9] =	vst.msk $0xffff, v5;
	v4 =	vld [tilespmem:s23+$0x440]  }
.Ltmp4:
0xa3: {  	_ = 	snop;
	(pc) =	sbr.rel .LBB1_4-.Ltmp4, $1  }
0xa4: {  	_ =	sdelay $0x3  }
.LBB1_6:
0xa5: {  	_ =	sfence.sel $0x180000  }
0xa6: {  	s2 =	simm.s32 $0x1;
	[bflag:$0x0] =	sbarrier.arrive $0xFFFF  }
0xa7: {  	s31 =	simm.s32 $0x2;
	[sflag:s2] =	ssyncpa.u1 $0x1  }
0xa8: {  	[sflag:s31] =	ssyncpa.u1 $0x1  }
0xa9: {  	p0 =	sne.s32 s0, $0x0;
	_ =	strace $0x90000047  }
0xaa: {  	s0 =	sadd.s32 @!p0 $0x100000, s1;
	[bflag:$0x2] =	sbarrier.arrive $0xFFFF  }
0xab: {  	[sflag:s0] =	ssyncadd.tile.s32 @!p0 $0x1;
	_ =	shalt  }
.Lfunc_end1:
_tile_overlayer_lowered:
.L_overlay_start_2:
0xac: {  	(tag) =	ssettag $0x2  }
0xad: {  	s0 =	rddreg [dreg:$0x0];
	s2 =	stileid.u32  }
0xae: {  	s1 =	rddreg [dreg:$0x1];
	p0 =	sne.s32 s2, $0x0  }
0xaf: {  	s3 =	rddreg [dreg:$0x2];
	[bflag:$0x3] =	sbarrier.arrive $0xFFFF;
	s2 =	simm.s32 @!p0 $0x1C01  }
0xb0: {  	[timem:s3], [sflag:s2] =	dma.local @!p0 [hbm:s0], s1  }
0xb1: {  	s0 =	simm.s32 @!p0 $0x1  }
0xb2: {  	_ =	swait.ge @!p0 [sflag:s0], s1  }
0xb3: {  	s1 =	ssub.s32 @!p0 $0x0, s1;
	[sflag:s0] =	ssyncset.done @!p0 $0x0  }
0xb4: {  	[sflag:s0] =	ssyncadd.s32 @!p0 s1  }
0xb5: {  	[bflag:$0x3] =	sbarrier.arrive $0xFFFF  }
0xb6: {  	_ =	shalt  }

</sc_bundles>
